<compile_context>
chip_gen: v7x
topology: tpu7x:2x2x1
jax: 0.10.2.dev20260603
libtpu: 0.0.44.dev20260713+nightly
codegen_flags: <defaults>
</compile_context>

<pallas_src>
import jax
import jax.numpy as jnp
from jax import lax
from jax.experimental import pallas as pl
from jax.experimental.pallas import tpu as pltpu
from jax.experimental.pallas import tpu_sc as plsc

NUM_ENTITIES = 100000
EMBED_DIM = 128
BATCH = 16384

NC = 2
NS = 16
NW = NC * NS
CHUNK = 128
CHUNKS_PER_W = BATCH // (NW * CHUNK)
ROWS_PER_W = BATCH // NW
NGROUP = CHUNK // 16


def _tec_body(src_hbm, tgt_hbm, rel_hbm, table_hbm, out_hbm,
              idx_v, rel_v, srows, trows, out_v, sems, isem):
    cid = lax.axis_index("c")
    sid = lax.axis_index("s")
    wid = sid * NC + cid

    c_rel = pltpu.async_copy(rel_hbm, rel_v, isem)
    c_src = pltpu.async_copy(src_hbm.at[wid],
                             idx_v.at[pl.ds(0, CHUNKS_PER_W)], isem)
    c_tgt = pltpu.async_copy(tgt_hbm.at[wid],
                             idx_v.at[pl.ds(CHUNKS_PER_W, CHUNKS_PER_W)],
                             isem)
    c_rel.wait()
    c_src.wait()
    c_tgt.wait()

    def start(c, b):
        pltpu.async_copy(table_hbm.at[idx_v.at[c]], srows.at[b], sems.at[b])
        pltpu.async_copy(table_hbm.at[idx_v.at[CHUNKS_PER_W + c]],
                         trows.at[b], sems.at[b])

    start(0, 0)

    iota16 = lax.iota(jnp.int32, 16)
    rows = [g * 16 + iota16 for g in range(NGROUP)]
    zero16 = jnp.zeros((16,), jnp.int32)

    @pl.loop(0, CHUNKS_PER_W)
    def _chunks(c):
        b = c & 1

        @pl.when(c + 1 < CHUNKS_PER_W)
        def _():
            start(c + 1, (c + 1) & 1)

        pltpu.make_async_copy(table_hbm.at[idx_v.at[0]],
                              srows.at[b], sems.at[b]).wait()
        pltpu.make_async_copy(table_hbm.at[idx_v.at[0]],
                              trows.at[b], sems.at[b]).wait()
        sr = srows.at[b]
        tr = trows.at[b]

        def body(col, accs):
            colv = (col + iota16) & (EMBED_DIM - 1)
            r = plsc.load_gather(rel_v, [zero16, colv])
            new = []
            for g in range(NGROUP):
                s = plsc.load_gather(sr, [rows[g], colv])
                t = plsc.load_gather(tr, [rows[g], colv])
                new.append(accs[g] + jnp.abs(s - t + r))
            return tuple(new)

        accs = lax.fori_loop(
            0, EMBED_DIM, body,
            tuple(jnp.zeros((16,), jnp.float32) for _ in range(NGROUP)),
            unroll=1)

        for g in range(NGROUP):
            out_v[pl.ds(c * CHUNK + g * 16, 16)] = accs[g]

    base = pl.multiple_of(wid * ROWS_PER_W, ROWS_PER_W)
    pltpu.sync_copy(out_v, out_hbm.at[pl.ds(base, ROWS_PER_W)])


@jax.jit
def _transe_sc(src3d, tgt3d, rel, table):
    mesh = plsc.VectorSubcoreMesh(core_axis_name="c", subcore_axis_name="s")
    return pl.kernel(
        _tec_body,
        out_type=jax.ShapeDtypeStruct((BATCH,), jnp.float32),
        mesh=mesh,
        compiler_params=pltpu.CompilerParams(
            needs_layout_passes=False,
            skip_device_barrier=True,
            disable_bounds_checks=True,
            disable_semaphore_checks=True,
        ),
        scratch_types=[
            pltpu.VMEM((2 * CHUNKS_PER_W, CHUNK), jnp.int32),
            pltpu.VMEM((1, EMBED_DIM), jnp.float32),
            pltpu.VMEM((2, CHUNK, EMBED_DIM), jnp.float32),
            pltpu.VMEM((2, CHUNK, EMBED_DIM), jnp.float32),
            pltpu.VMEM((ROWS_PER_W,), jnp.float32),
            pltpu.SemaphoreType.DMA((2,)),
            pltpu.SemaphoreType.DMA,
        ],
    )(src3d, tgt3d, rel, table)


def kernel(sources, targets, entity_table, relation_table):
    src3d = sources.astype(jnp.int32).reshape(NW, CHUNKS_PER_W, CHUNK)
    tgt3d = targets.astype(jnp.int32).reshape(NW, CHUNKS_PER_W, CHUNK)
    rel = relation_table.reshape(1, EMBED_DIM).astype(jnp.float32)
    return _transe_sc(src3d, tgt3d, rel, entity_table)

# --- scband reference (transcript-rebuilt; emitter-appended) ---
"""Pipeline reference for scband-trans-e-10161892622865 (READ-ONLY COPY).

The authoritative reference and input builder live on the scoring server;
editing this copy changes nothing except your own understanding.
"""

import jax, jax.numpy as jnp
import numpy as np

NUM_ENTITIES = 100000
EMBED_DIM = 128
BATCH = 16384
P_NORM = 1

def setup_inputs(seed: int = 0) -> dict:
    key = jax.random.key(seed)
    k1, k2, k3, k4 = jax.random.split(key, 4)
    sources = jax.random.randint(k1, (BATCH,), 0, NUM_ENTITIES, dtype=jnp.int64 if jax.config.jax_enable_x64 else jnp.int32)
    targets = jax.random.randint(k2, (BATCH,), 0, NUM_ENTITIES, dtype=jnp.int64 if jax.config.jax_enable_x64 else jnp.int32)
    # Xavier-uniform-like init then L2-normalize rows (matches _initialize_embeddings)
    limit_e = np.sqrt(6.0 / (NUM_ENTITIES + EMBED_DIM))
    entity_table = jax.random.uniform(k3, (NUM_ENTITIES, EMBED_DIM), minval=-limit_e, maxval=limit_e, dtype=jnp.float32)
    entity_table = entity_table / jnp.linalg.norm(entity_table, ord=2, axis=1, keepdims=True)
    limit_r = np.sqrt(6.0 / (1 + EMBED_DIM))
    relation_table = jax.random.uniform(k4, (1, EMBED_DIM), minval=-limit_r, maxval=limit_r, dtype=jnp.float32)
    return {"sources": sources, "targets": targets, "entity_table": entity_table, "relation_table": relation_table}

def reference(sources, targets, entity_table, relation_table) -> jnp.ndarray:
    source_emb = jnp.take(entity_table, sources, axis=0)
    target_emb = jnp.take(entity_table, targets, axis=0)
    relation_idx = jnp.zeros_like(sources)
    relation_emb = jnp.take(relation_table, relation_idx, axis=0)
    score = source_emb + relation_emb - target_emb
    # p_norm = 1
    score = jnp.sum(jnp.abs(score), axis=1)
    return score

if __name__ == "__main__":
    import jax
    _d = setup_inputs()
    print(jax.jit(kernel)(*tuple(_d.values())))

</pallas_src>

<mosaic_0001>
#map = affine_map<(d0, d1) -> (0, 0, 0)>
#map1 = affine_map<(d0, d1) -> (0, 0)>
#map2 = affine_map<(d0, d1) -> (0)>
module attributes {stable_mosaic.version = 14 : i64} {
  func.func @_tec_body(%arg0: i32, %arg1: i32, %arg2: memref<32x4x128xi32, #tpu.memory_space<hbm>>, %arg3: memref<32x4x128xi32, #tpu.memory_space<hbm>>, %arg4: memref<1x128xf32, #tpu.memory_space<hbm>>, %arg5: memref<100000x128xf32, #tpu.memory_space<hbm>>, %arg6: memref<16384xf32, #tpu.memory_space<hbm>>, %arg7: memref<8x128xi32, #tpu.memory_space<vmem>>, %arg8: memref<1x128xf32, #tpu.memory_space<vmem>>, %arg9: memref<2x128x128xf32, #tpu.memory_space<vmem>>, %arg10: memref<2x128x128xf32, #tpu.memory_space<vmem>>, %arg11: memref<512xf32, #tpu.memory_space<vmem>>, %arg12: memref<2x!tpu.dma_semaphore, #tpu.memory_space<semaphore_mem>>, %arg13: memref<!tpu.dma_semaphore, #tpu.memory_space<semaphore_mem>>) attributes {dimension_semantics = [#tpu.dimension_semantics<core_parallel>, #tpu.dimension_semantics<subcore_parallel>], iteration_bounds = array<i64: 2, 16>, scalar_prefetch = 0 : i64, scratch_operands = 7 : i64, tpu.core_type = #tpu.core_type<sc_vector_subcore>, window_params = [{transform_indices = #map}, {transform_indices = #map}, {transform_indices = #map1}, {transform_indices = #map1}, {transform_indices = #map2}]} {
    %mul3A = arith.constant 2 : i32
    %mul3A_0 = arith.muli %arg1, %mul3A : i32
    %add3A = arith.addi %mul3A_0, %arg0 : i32
    tpu.enqueue_dma source(%arg4 : memref<1x128xf32, #tpu.memory_space<hbm>>) target(%arg8 : memref<1x128xf32, #tpu.memory_space<vmem>>) target_semaphore(%arg13 : memref<!tpu.dma_semaphore, #tpu.memory_space<semaphore_mem>>)
    %dma_start3A = arith.constant 0 : i32
    %dma_start3A_1 = arith.constant 0 : i32
    %dma_start3A_2 = tpu.memref_slice %arg7[%dma_start3A, %dma_start3A_1] : memref<8x128xi32, #tpu.memory_space<vmem>> -> memref<4x128xi32, #tpu.memory_space<vmem>>
    %dma_start3A_3 = arith.constant 0 : i32
    %dma_start3A_4 = arith.constant 0 : i32
    %dma_start3A_5 = tpu.memref_slice %arg2[%add3A, %dma_start3A_3, %dma_start3A_4] : memref<32x4x128xi32, #tpu.memory_space<hbm>> -> memref<1x4x128xi32, #tpu.memory_space<hbm>>
    %dma_start3A_6 = tpu.memref_squeeze %dma_start3A_5 : memref<1x4x128xi32, #tpu.memory_space<hbm>> -> memref<4x128xi32, #tpu.memory_space<hbm>>
    %dma_start3A_7 = arith.constant 0 : i32
    %dma_start3A_8 = arith.constant 0 : i32
    %dma_start3A_9 = tpu.memref_slice %arg7[%dma_start3A_7, %dma_start3A_8] : memref<8x128xi32, #tpu.memory_space<vmem>> -> memref<4x128xi32, #tpu.memory_space<vmem>>
    %dma_start3A_10 = arith.constant 0 : i32
    %dma_start3A_11 = arith.constant 0 : i32
    %dma_start3A_12 = tpu.memref_slice %arg2[%add3A, %dma_start3A_10, %dma_start3A_11] : memref<32x4x128xi32, #tpu.memory_space<hbm>> -> memref<1x4x128xi32, #tpu.memory_space<hbm>>
    %dma_start3A_13 = tpu.memref_squeeze %dma_start3A_12 : memref<1x4x128xi32, #tpu.memory_space<hbm>> -> memref<4x128xi32, #tpu.memory_space<hbm>>
    tpu.enqueue_dma source(%dma_start3A_13 : memref<4x128xi32, #tpu.memory_space<hbm>>) target(%dma_start3A_9 : memref<4x128xi32, #tpu.memory_space<vmem>>) target_semaphore(%arg13 : memref<!tpu.dma_semaphore, #tpu.memory_space<semaphore_mem>>)
    %dma_start3A_14 = arith.constant 4 : i32
    %dma_start3A_15 = arith.constant 0 : i32
    %dma_start3A_16 = tpu.memref_slice %arg7[%dma_start3A_14, %dma_start3A_15] : memref<8x128xi32, #tpu.memory_space<vmem>> -> memref<4x128xi32, #tpu.memory_space<vmem>>
    %dma_start3A_17 = arith.constant 0 : i32
    %dma_start3A_18 = arith.constant 0 : i32
    %dma_start3A_19 = tpu.memref_slice %arg3[%add3A, %dma_start3A_17, %dma_start3A_18] : memref<32x4x128xi32, #tpu.memory_space<hbm>> -> memref<1x4x128xi32, #tpu.memory_space<hbm>>
    %dma_start3A_20 = tpu.memref_squeeze %dma_start3A_19 : memref<1x4x128xi32, #tpu.memory_space<hbm>> -> memref<4x128xi32, #tpu.memory_space<hbm>>
    %dma_start3A_21 = arith.constant 4 : i32
    %dma_start3A_22 = arith.constant 0 : i32
    %dma_start3A_23 = tpu.memref_slice %arg7[%dma_start3A_21, %dma_start3A_22] : memref<8x128xi32, #tpu.memory_space<vmem>> -> memref<4x128xi32, #tpu.memory_space<vmem>>
    %dma_start3A_24 = arith.constant 0 : i32
    %dma_start3A_25 = arith.constant 0 : i32
    %dma_start3A_26 = tpu.memref_slice %arg3[%add3A, %dma_start3A_24, %dma_start3A_25] : memref<32x4x128xi32, #tpu.memory_space<hbm>> -> memref<1x4x128xi32, #tpu.memory_space<hbm>>
    %dma_start3A_27 = tpu.memref_squeeze %dma_start3A_26 : memref<1x4x128xi32, #tpu.memory_space<hbm>> -> memref<4x128xi32, #tpu.memory_space<hbm>>
    tpu.enqueue_dma source(%dma_start3A_27 : memref<4x128xi32, #tpu.memory_space<hbm>>) target(%dma_start3A_23 : memref<4x128xi32, #tpu.memory_space<vmem>>) target_semaphore(%arg13 : memref<!tpu.dma_semaphore, #tpu.memory_space<semaphore_mem>>)
    tpu.wait_dma2 semaphore(%arg13 : memref<!tpu.dma_semaphore, #tpu.memory_space<semaphore_mem>>) src(%arg4 : memref<1x128xf32, #tpu.memory_space<hbm>>) dst(%arg8 : memref<1x128xf32, #tpu.memory_space<vmem>>)
    %dma_wait3A = arith.constant 0 : i32
    %dma_wait3A_28 = arith.constant 0 : i32
    %dma_wait3A_29 = tpu.memref_slice %arg7[%dma_wait3A, %dma_wait3A_28] : memref<8x128xi32, #tpu.memory_space<vmem>> -> memref<4x128xi32, #tpu.memory_space<vmem>>
    %dma_wait3A_30 = arith.constant 0 : i32
    %dma_wait3A_31 = arith.constant 0 : i32
    %dma_wait3A_32 = tpu.memref_slice %arg2[%add3A, %dma_wait3A_30, %dma_wait3A_31] : memref<32x4x128xi32, #tpu.memory_space<hbm>> -> memref<1x4x128xi32, #tpu.memory_space<hbm>>
    %dma_wait3A_33 = tpu.memref_squeeze %dma_wait3A_32 : memref<1x4x128xi32, #tpu.memory_space<hbm>> -> memref<4x128xi32, #tpu.memory_space<hbm>>
    %dma_wait3A_34 = arith.constant 0 : i32
    %dma_wait3A_35 = arith.constant 0 : i32
    %dma_wait3A_36 = tpu.memref_slice %arg7[%dma_wait3A_34, %dma_wait3A_35] : memref<8x128xi32, #tpu.memory_space<vmem>> -> memref<4x128xi32, #tpu.memory_space<vmem>>
    %dma_wait3A_37 = arith.constant 0 : i32
    %dma_wait3A_38 = arith.constant 0 : i32
    %dma_wait3A_39 = tpu.memref_slice %arg2[%add3A, %dma_wait3A_37, %dma_wait3A_38] : memref<32x4x128xi32, #tpu.memory_space<hbm>> -> memref<1x4x128xi32, #tpu.memory_space<hbm>>
    %dma_wait3A_40 = tpu.memref_squeeze %dma_wait3A_39 : memref<1x4x128xi32, #tpu.memory_space<hbm>> -> memref<4x128xi32, #tpu.memory_space<hbm>>
    tpu.wait_dma2 semaphore(%arg13 : memref<!tpu.dma_semaphore, #tpu.memory_space<semaphore_mem>>) src(%dma_wait3A_40 : memref<4x128xi32, #tpu.memory_space<hbm>>) dst(%dma_wait3A_36 : memref<4x128xi32, #tpu.memory_space<vmem>>)
    %dma_wait3A_41 = arith.constant 4 : i32
    %dma_wait3A_42 = arith.constant 0 : i32
    %dma_wait3A_43 = tpu.memref_slice %arg7[%dma_wait3A_41, %dma_wait3A_42] : memref<8x128xi32, #tpu.memory_space<vmem>> -> memref<4x128xi32, #tpu.memory_space<vmem>>
    %dma_wait3A_44 = arith.constant 0 : i32
    %dma_wait3A_45 = arith.constant 0 : i32
    %dma_wait3A_46 = tpu.memref_slice %arg3[%add3A, %dma_wait3A_44, %dma_wait3A_45] : memref<32x4x128xi32, #tpu.memory_space<hbm>> -> memref<1x4x128xi32, #tpu.memory_space<hbm>>
    %dma_wait3A_47 = tpu.memref_squeeze %dma_wait3A_46 : memref<1x4x128xi32, #tpu.memory_space<hbm>> -> memref<4x128xi32, #tpu.memory_space<hbm>>
    %dma_wait3A_48 = arith.constant 4 : i32
    %dma_wait3A_49 = arith.constant 0 : i32
    %dma_wait3A_50 = tpu.memref_slice %arg7[%dma_wait3A_48, %dma_wait3A_49] : memref<8x128xi32, #tpu.memory_space<vmem>> -> memref<4x128xi32, #tpu.memory_space<vmem>>
    %dma_wait3A_51 = arith.constant 0 : i32
    %dma_wait3A_52 = arith.constant 0 : i32
    %dma_wait3A_53 = tpu.memref_slice %arg3[%add3A, %dma_wait3A_51, %dma_wait3A_52] : memref<32x4x128xi32, #tpu.memory_space<hbm>> -> memref<1x4x128xi32, #tpu.memory_space<hbm>>
    %dma_wait3A_54 = tpu.memref_squeeze %dma_wait3A_53 : memref<1x4x128xi32, #tpu.memory_space<hbm>> -> memref<4x128xi32, #tpu.memory_space<hbm>>
    tpu.wait_dma2 semaphore(%arg13 : memref<!tpu.dma_semaphore, #tpu.memory_space<semaphore_mem>>) src(%dma_wait3A_54 : memref<4x128xi32, #tpu.memory_space<hbm>>) dst(%dma_wait3A_50 : memref<4x128xi32, #tpu.memory_space<vmem>>)
    %dma_start3A_55 = arith.constant 0 : i32
    %dma_start3A_56 = arith.constant 0 : i32
    %dma_start3A_57 = arith.constant 0 : i32
    %dma_start3A_58 = arith.constant 0 : i32
    %dma_start3A_59 = arith.constant 0 : i32
    %dma_start3A_60 = tpu.memref_slice %arg9[%dma_start3A_56, %dma_start3A_58, %dma_start3A_59] : memref<2x128x128xf32, #tpu.memory_space<vmem>> -> memref<1x128x128xf32, #tpu.memory_space<vmem>>
    %dma_start3A_61 = tpu.memref_squeeze %dma_start3A_60 : memref<1x128x128xf32, #tpu.memory_space<vmem>> -> memref<128x128xf32, #tpu.memory_space<vmem>>
    %dma_start3A_62 = arith.constant 0 : i32
    %dma_start3A_63 = tpu.memref_slice %arg7[%dma_start3A_55, %dma_start3A_62] : memref<8x128xi32, #tpu.memory_space<vmem>> -> memref<1x128xi32, #tpu.memory_space<vmem>>
    %dma_start3A_64 = tpu.memref_squeeze %dma_start3A_63 : memref<1x128xi32, #tpu.memory_space<vmem>> -> memref<128xi32, #tpu.memory_space<vmem>>
    %dma_start3A_65 = arith.constant 0 : i32
    %dma_start3A_66 = arith.constant 0 : i32
    %dma_start3A_67 = tpu.memref_slice %arg5[%dma_start3A_65, %dma_start3A_66] : memref<100000x128xf32, #tpu.memory_space<hbm>> -> memref<100000x128xf32, #tpu.memory_space<hbm>>
    %dma_start3A_68 = tpu.memref_slice %arg12[%dma_start3A_57] : memref<2x!tpu.dma_semaphore, #tpu.memory_space<semaphore_mem>> -> memref<1x!tpu.dma_semaphore, #tpu.memory_space<semaphore_mem>>
    %dma_start3A_69 = tpu.memref_squeeze %dma_start3A_68 : memref<1x!tpu.dma_semaphore, #tpu.memory_space<semaphore_mem>> -> memref<!tpu.dma_semaphore, #tpu.memory_space<semaphore_mem>>
    tpu.enqueue_indirect_dma source(%dma_start3A_67 : memref<100000x128xf32, #tpu.memory_space<hbm>>) target(%dma_start3A_61 : memref<128x128xf32, #tpu.memory_space<vmem>>) offsets(%dma_start3A_64 : memref<128xi32, #tpu.memory_space<vmem>>) semaphore(%dma_start3A_69 : memref<!tpu.dma_semaphore, #tpu.memory_space<semaphore_mem>>)
    %dma_start3A_70 = arith.constant 4 : i32
    %dma_start3A_71 = arith.constant 0 : i32
    %dma_start3A_72 = arith.constant 0 : i32
    %dma_start3A_73 = arith.constant 0 : i32
    %dma_start3A_74 = arith.constant 0 : i32
    %dma_start3A_75 = tpu.memref_slice %arg10[%dma_start3A_71, %dma_start3A_73, %dma_start3A_74] : memref<2x128x128xf32, #tpu.memory_space<vmem>> -> memref<1x128x128xf32, #tpu.memory_space<vmem>>
    %dma_start3A_76 = tpu.memref_squeeze %dma_start3A_75 : memref<1x128x128xf32, #tpu.memory_space<vmem>> -> memref<128x128xf32, #tpu.memory_space<vmem>>
    %dma_start3A_77 = arith.constant 0 : i32
    %dma_start3A_78 = tpu.memref_slice %arg7[%dma_start3A_70, %dma_start3A_77] : memref<8x128xi32, #tpu.memory_space<vmem>> -> memref<1x128xi32, #tpu.memory_space<vmem>>
    %dma_start3A_79 = tpu.memref_squeeze %dma_start3A_78 : memref<1x128xi32, #tpu.memory_space<vmem>> -> memref<128xi32, #tpu.memory_space<vmem>>
    %dma_start3A_80 = arith.constant 0 : i32
    %dma_start3A_81 = arith.constant 0 : i32
    %dma_start3A_82 = tpu.memref_slice %arg5[%dma_start3A_80, %dma_start3A_81] : memref<100000x128xf32, #tpu.memory_space<hbm>> -> memref<100000x128xf32, #tpu.memory_space<hbm>>
    %dma_start3A_83 = tpu.memref_slice %arg12[%dma_start3A_72] : memref<2x!tpu.dma_semaphore, #tpu.memory_space<semaphore_mem>> -> memref<1x!tpu.dma_semaphore, #tpu.memory_space<semaphore_mem>>
    %dma_start3A_84 = tpu.memref_squeeze %dma_start3A_83 : memref<1x!tpu.dma_semaphore, #tpu.memory_space<semaphore_mem>> -> memref<!tpu.dma_semaphore, #tpu.memory_space<semaphore_mem>>
    tpu.enqueue_indirect_dma source(%dma_start3A_82 : memref<100000x128xf32, #tpu.memory_space<hbm>>) target(%dma_start3A_76 : memref<128x128xf32, #tpu.memory_space<vmem>>) offsets(%dma_start3A_79 : memref<128xi32, #tpu.memory_space<vmem>>) semaphore(%dma_start3A_84 : memref<!tpu.dma_semaphore, #tpu.memory_space<semaphore_mem>>)
    %iota3A = tpu.iota {dimensions = array<i32: 0>} : vector<16xi32>
    %add3A_85 = arith.constant 0 : i32
    %add3A_86 = vector.broadcast %add3A_85 : i32 to vector<16xi32>
    %add3A_87 = arith.addi %add3A_86, %iota3A : vector<16xi32>
    %add3A_88 = arith.constant 16 : i32
    %add3A_89 = vector.broadcast %add3A_88 : i32 to vector<16xi32>
    %add3A_90 = arith.addi %add3A_89, %iota3A : vector<16xi32>
    %add3A_91 = arith.constant 32 : i32
    %add3A_92 = vector.broadcast %add3A_91 : i32 to vector<16xi32>
    %add3A_93 = arith.addi %add3A_92, %iota3A : vector<16xi32>
    %add3A_94 = arith.constant 48 : i32
    %add3A_95 = vector.broadcast %add3A_94 : i32 to vector<16xi32>
    %add3A_96 = arith.addi %add3A_95, %iota3A : vector<16xi32>
    %add3A_97 = arith.constant 64 : i32
    %add3A_98 = vector.broadcast %add3A_97 : i32 to vector<16xi32>
    %add3A_99 = arith.addi %add3A_98, %iota3A : vector<16xi32>
    %add3A_100 = arith.constant 80 : i32
    %add3A_101 = vector.broadcast %add3A_100 : i32 to vector<16xi32>
    %add3A_102 = arith.addi %add3A_101, %iota3A : vector<16xi32>
    %add3A_103 = arith.constant 96 : i32
    %add3A_104 = vector.broadcast %add3A_103 : i32 to vector<16xi32>
    %add3A_105 = arith.addi %add3A_104, %iota3A : vector<16xi32>
    %add3A_106 = arith.constant 112 : i32
    %add3A_107 = vector.broadcast %add3A_106 : i32 to vector<16xi32>
    %add3A_108 = arith.addi %add3A_107, %iota3A : vector<16xi32>
    %broadcast_in_dim3A = arith.constant 0 : i32
    %broadcast_in_dim3A_109 = vector.broadcast %broadcast_in_dim3A : i32 to vector<16xi32>
    %scan3A = arith.constant 0 : i32
    %scan3A_110 = arith.constant 4 : i32
    %scan3A_111 = arith.addi %scan3A, %scan3A_110 : i32
    %scan3A_112 = arith.constant 1 : i32
    scf.for %scan3A_116 = %scan3A to %scan3A_111 step %scan3A_112  : i32 {
      %mul3A_117 = arith.constant 1 : i32
      %mul3A_118 = arith.muli %scan3A_116, %mul3A_117 : i32
      %add3A_119 = arith.constant 0 : i32
      %add3A_120 = arith.addi %add3A_119, %mul3A_118 : i32
      %and3A = arith.constant 1 : i32
      %and3A_121 = arith.andi %add3A_120, %and3A : i32
      %add3A_122 = arith.constant 1 : i32
      %add3A_123 = arith.addi %add3A_120, %add3A_122 : i32
      %lt3A = arith.constant 4 : i32
      %lt3A_124 = arith.cmpi slt, %add3A_123, %lt3A : i32
      %convert_element_type3A = arith.extui %lt3A_124 : i1 to i32
      %cond3A = arith.constant 0 : i32
      %cond3A_125 = arith.cmpi ne, %convert_element_type3A, %cond3A : i32
      scf.if %cond3A_125 {
        %add3A_221 = arith.constant 1 : i32
        %add3A_222 = arith.addi %add3A_120, %add3A_221 : i32
        %add3A_223 = arith.constant 1 : i32
        %add3A_224 = arith.addi %add3A_120, %add3A_223 : i32
        %and3A_225 = arith.constant 1 : i32
        %and3A_226 = arith.andi %add3A_224, %and3A_225 : i32
        %dma_start3A_227 = arith.constant 0 : i32
        %dma_start3A_228 = arith.constant 0 : i32
        %dma_start3A_229 = tpu.memref_slice %arg9[%and3A_226, %dma_start3A_227, %dma_start3A_228] : memref<2x128x128xf32, #tpu.memory_space<vmem>> -> memref<1x128x128xf32, #tpu.memory_space<vmem>>
        %dma_start3A_230 = tpu.memref_squeeze %dma_start3A_229 : memref<1x128x128xf32, #tpu.memory_space<vmem>> -> memref<128x128xf32, #tpu.memory_space<vmem>>
        %dma_start3A_231 = arith.constant 0 : i32
        %dma_start3A_232 = tpu.memref_slice %arg7[%add3A_222, %dma_start3A_231] : memref<8x128xi32, #tpu.memory_space<vmem>> -> memref<1x128xi32, #tpu.memory_space<vmem>>
        %dma_start3A_233 = tpu.memref_squeeze %dma_start3A_232 : memref<1x128xi32, #tpu.memory_space<vmem>> -> memref<128xi32, #tpu.memory_space<vmem>>
        %dma_start3A_234 = arith.constant 0 : i32
        %dma_start3A_235 = arith.constant 0 : i32
        %dma_start3A_236 = tpu.memref_slice %arg5[%dma_start3A_234, %dma_start3A_235] : memref<100000x128xf32, #tpu.memory_space<hbm>> -> memref<100000x128xf32, #tpu.memory_space<hbm>>
        %dma_start3A_237 = tpu.memref_slice %arg12[%and3A_226] : memref<2x!tpu.dma_semaphore, #tpu.memory_space<semaphore_mem>> -> memref<1x!tpu.dma_semaphore, #tpu.memory_space<semaphore_mem>>
        %dma_start3A_238 = tpu.memref_squeeze %dma_start3A_237 : memref<1x!tpu.dma_semaphore, #tpu.memory_space<semaphore_mem>> -> memref<!tpu.dma_semaphore, #tpu.memory_space<semaphore_mem>>
        tpu.enqueue_indirect_dma source(%dma_start3A_236 : memref<100000x128xf32, #tpu.memory_space<hbm>>) target(%dma_start3A_230 : memref<128x128xf32, #tpu.memory_space<vmem>>) offsets(%dma_start3A_233 : memref<128xi32, #tpu.memory_space<vmem>>) semaphore(%dma_start3A_238 : memref<!tpu.dma_semaphore, #tpu.memory_space<semaphore_mem>>)
        %add3A_239 = arith.constant 4 : i32
        %add3A_240 = arith.addi %add3A_239, %add3A_222 : i32
        %dma_start3A_241 = arith.constant 0 : i32
        %dma_start3A_242 = arith.constant 0 : i32
        %dma_start3A_243 = tpu.memref_slice %arg10[%and3A_226, %dma_start3A_241, %dma_start3A_242] : memref<2x128x128xf32, #tpu.memory_space<vmem>> -> memref<1x128x128xf32, #tpu.memory_space<vmem>>
        %dma_start3A_244 = tpu.memref_squeeze %dma_start3A_243 : memref<1x128x128xf32, #tpu.memory_space<vmem>> -> memref<128x128xf32, #tpu.memory_space<vmem>>
        %dma_start3A_245 = arith.constant 0 : i32
        %dma_start3A_246 = tpu.memref_slice %arg7[%add3A_240, %dma_start3A_245] : memref<8x128xi32, #tpu.memory_space<vmem>> -> memref<1x128xi32, #tpu.memory_space<vmem>>
        %dma_start3A_247 = tpu.memref_squeeze %dma_start3A_246 : memref<1x128xi32, #tpu.memory_space<vmem>> -> memref<128xi32, #tpu.memory_space<vmem>>
        %dma_start3A_248 = arith.constant 0 : i32
        %dma_start3A_249 = arith.constant 0 : i32
        %dma_start3A_250 = tpu.memref_slice %arg5[%dma_start3A_248, %dma_start3A_249] : memref<100000x128xf32, #tpu.memory_space<hbm>> -> memref<100000x128xf32, #tpu.memory_space<hbm>>
        %dma_start3A_251 = tpu.memref_slice %arg12[%and3A_226] : memref<2x!tpu.dma_semaphore, #tpu.memory_space<semaphore_mem>> -> memref<1x!tpu.dma_semaphore, #tpu.memory_space<semaphore_mem>>
        %dma_start3A_252 = tpu.memref_squeeze %dma_start3A_251 : memref<1x!tpu.dma_semaphore, #tpu.memory_space<semaphore_mem>> -> memref<!tpu.dma_semaphore, #tpu.memory_space<semaphore_mem>>
        tpu.enqueue_indirect_dma source(%dma_start3A_250 : memref<100000x128xf32, #tpu.memory_space<hbm>>) target(%dma_start3A_244 : memref<128x128xf32, #tpu.memory_space<vmem>>) offsets(%dma_start3A_247 : memref<128xi32, #tpu.memory_space<vmem>>) semaphore(%dma_start3A_252 : memref<!tpu.dma_semaphore, #tpu.memory_space<semaphore_mem>>)
      } else {
      }
      %dma_wait3A_126 = arith.constant 0 : i32
      %dma_wait3A_127 = arith.constant 0 : i32
      %dma_wait3A_128 = arith.constant 0 : i32
      %dma_wait3A_129 = tpu.memref_slice %arg9[%and3A_121, %dma_wait3A_127, %dma_wait3A_128] : memref<2x128x128xf32, #tpu.memory_space<vmem>> -> memref<1x128x128xf32, #tpu.memory_space<vmem>>
      %dma_wait3A_130 = tpu.memref_squeeze %dma_wait3A_129 : memref<1x128x128xf32, #tpu.memory_space<vmem>> -> memref<128x128xf32, #tpu.memory_space<vmem>>
      %dma_wait3A_131 = arith.constant 0 : i32
      %dma_wait3A_132 = tpu.memref_slice %arg7[%dma_wait3A_126, %dma_wait3A_131] : memref<8x128xi32, #tpu.memory_space<vmem>> -> memref<1x128xi32, #tpu.memory_space<vmem>>
      %dma_wait3A_133 = tpu.memref_squeeze %dma_wait3A_132 : memref<1x128xi32, #tpu.memory_space<vmem>> -> memref<128xi32, #tpu.memory_space<vmem>>
      %dma_wait3A_134 = arith.constant 0 : i32
      %dma_wait3A_135 = arith.constant 0 : i32
      %dma_wait3A_136 = tpu.memref_slice %arg5[%dma_wait3A_134, %dma_wait3A_135] : memref<100000x128xf32, #tpu.memory_space<hbm>> -> memref<100000x128xf32, #tpu.memory_space<hbm>>
      %dma_wait3A_137 = tpu.memref_slice %arg12[%and3A_121] : memref<2x!tpu.dma_semaphore, #tpu.memory_space<semaphore_mem>> -> memref<1x!tpu.dma_semaphore, #tpu.memory_space<semaphore_mem>>
      %dma_wait3A_138 = tpu.memref_squeeze %dma_wait3A_137 : memref<1x!tpu.dma_semaphore, #tpu.memory_space<semaphore_mem>> -> memref<!tpu.dma_semaphore, #tpu.memory_space<semaphore_mem>>
      tpu.wait_indirect_dma semaphore(%dma_wait3A_138 : memref<!tpu.dma_semaphore, #tpu.memory_space<semaphore_mem>>) src(%dma_wait3A_136 : memref<100000x128xf32, #tpu.memory_space<hbm>>) dst(%dma_wait3A_130 : memref<128x128xf32, #tpu.memory_space<vmem>>)
      %dma_wait3A_139 = arith.constant 0 : i32
      %dma_wait3A_140 = arith.constant 0 : i32
      %dma_wait3A_141 = arith.constant 0 : i32
      %dma_wait3A_142 = tpu.memref_slice %arg10[%and3A_121, %dma_wait3A_140, %dma_wait3A_141] : memref<2x128x128xf32, #tpu.memory_space<vmem>> -> memref<1x128x128xf32, #tpu.memory_space<vmem>>
      %dma_wait3A_143 = tpu.memref_squeeze %dma_wait3A_142 : memref<1x128x128xf32, #tpu.memory_space<vmem>> -> memref<128x128xf32, #tpu.memory_space<vmem>>
      %dma_wait3A_144 = arith.constant 0 : i32
      %dma_wait3A_145 = tpu.memref_slice %arg7[%dma_wait3A_139, %dma_wait3A_144] : memref<8x128xi32, #tpu.memory_space<vmem>> -> memref<1x128xi32, #tpu.memory_space<vmem>>
      %dma_wait3A_146 = tpu.memref_squeeze %dma_wait3A_145 : memref<1x128xi32, #tpu.memory_space<vmem>> -> memref<128xi32, #tpu.memory_space<vmem>>
      %dma_wait3A_147 = arith.constant 0 : i32
      %dma_wait3A_148 = arith.constant 0 : i32
      %dma_wait3A_149 = tpu.memref_slice %arg5[%dma_wait3A_147, %dma_wait3A_148] : memref<100000x128xf32, #tpu.memory_space<hbm>> -> memref<100000x128xf32, #tpu.memory_space<hbm>>
      %dma_wait3A_150 = tpu.memref_slice %arg12[%and3A_121] : memref<2x!tpu.dma_semaphore, #tpu.memory_space<semaphore_mem>> -> memref<1x!tpu.dma_semaphore, #tpu.memory_space<semaphore_mem>>
      %dma_wait3A_151 = tpu.memref_squeeze %dma_wait3A_150 : memref<1x!tpu.dma_semaphore, #tpu.memory_space<semaphore_mem>> -> memref<!tpu.dma_semaphore, #tpu.memory_space<semaphore_mem>>
      tpu.wait_indirect_dma semaphore(%dma_wait3A_151 : memref<!tpu.dma_semaphore, #tpu.memory_space<semaphore_mem>>) src(%dma_wait3A_149 : memref<100000x128xf32, #tpu.memory_space<hbm>>) dst(%dma_wait3A_143 : memref<128x128xf32, #tpu.memory_space<vmem>>)
      %broadcast_in_dim3A_152 = arith.constant 0.000000e+00 : f32
      %broadcast_in_dim3A_153 = vector.broadcast %broadcast_in_dim3A_152 : f32 to vector<16xf32>
      %broadcast_in_dim3A_154 = arith.constant 0.000000e+00 : f32
      %broadcast_in_dim3A_155 = vector.broadcast %broadcast_in_dim3A_154 : f32 to vector<16xf32>
      %broadcast_in_dim3A_156 = arith.constant 0.000000e+00 : f32
      %broadcast_in_dim3A_157 = vector.broadcast %broadcast_in_dim3A_156 : f32 to vector<16xf32>
      %broadcast_in_dim3A_158 = arith.constant 0.000000e+00 : f32
      %broadcast_in_dim3A_159 = vector.broadcast %broadcast_in_dim3A_158 : f32 to vector<16xf32>
      %broadcast_in_dim3A_160 = arith.constant 0.000000e+00 : f32
      %broadcast_in_dim3A_161 = vector.broadcast %broadcast_in_dim3A_160 : f32 to vector<16xf32>
      %broadcast_in_dim3A_162 = arith.constant 0.000000e+00 : f32
      %broadcast_in_dim3A_163 = vector.broadcast %broadcast_in_dim3A_162 : f32 to vector<16xf32>
      %broadcast_in_dim3A_164 = arith.constant 0.000000e+00 : f32
      %broadcast_in_dim3A_165 = vector.broadcast %broadcast_in_dim3A_164 : f32 to vector<16xf32>
      %broadcast_in_dim3A_166 = arith.constant 0.000000e+00 : f32
      %broadcast_in_dim3A_167 = vector.broadcast %broadcast_in_dim3A_166 : f32 to vector<16xf32>
      %scan3A_168 = arith.constant 0 : i32
      %scan3A_169 = arith.constant 128 : i32
      %scan3A_170 = arith.addi %scan3A_168, %scan3A_169 : i32
      %scan3A_171 = arith.constant 1 : i32
      %scan3A_172:8 = scf.for %scan3A_221 = %scan3A_168 to %scan3A_170 step %scan3A_171 iter_args(%scan3A_222 = %broadcast_in_dim3A_153, %scan3A_223 = %broadcast_in_dim3A_155, %scan3A_224 = %broadcast_in_dim3A_157, %scan3A_225 = %broadcast_in_dim3A_159, %scan3A_226 = %broadcast_in_dim3A_161, %scan3A_227 = %broadcast_in_dim3A_163, %scan3A_228 = %broadcast_in_dim3A_165, %scan3A_229 = %broadcast_in_dim3A_167) -> (vector<16xf32>, vector<16xf32>, vector<16xf32>, vector<16xf32>, vector<16xf32>, vector<16xf32>, vector<16xf32>, vector<16xf32>)  : i32 {
        %add3A_230 = vector.broadcast %scan3A_221 : i32 to vector<16xi32>
        %add3A_231 = arith.addi %add3A_230, %iota3A : vector<16xi32>
        %and3A_232 = arith.constant 127 : i32
        %and3A_233 = vector.broadcast %and3A_232 : i32 to vector<16xi32>
        %and3A_234 = arith.andi %add3A_231, %and3A_233 : vector<16xi32>
        %gather3A = tpu.vector_load_idx %arg8[%broadcast_in_dim3A_109, %and3A_234] : memref<1x128xf32, #tpu.memory_space<vmem>>[vector<16xi32>, vector<16xi32>], vector<16xf32>,
        %gather3A_235 = arith.constant 0 : i32
        %gather3A_236 = arith.constant 0 : i32
        %gather3A_237 = tpu.memref_slice %arg9[%and3A_121, %gather3A_235, %gather3A_236] : memref<2x128x128xf32, #tpu.memory_space<vmem>> -> memref<1x128x128xf32, #tpu.memory_space<vmem>>
        %gather3A_238 = tpu.memref_squeeze %gather3A_237 : memref<1x128x128xf32, #tpu.memory_space<vmem>> -> memref<128x128xf32, #tpu.memory_space<vmem>>
        %gather3A_239 = tpu.vector_load_idx %gather3A_238[%add3A_87, %and3A_234] : memref<128x128xf32, #tpu.memory_space<vmem>>[vector<16xi32>, vector<16xi32>], vector<16xf32>,
        %gather3A_240 = arith.constant 0 : i32
        %gather3A_241 = arith.constant 0 : i32
        %gather3A_242 = tpu.memref_slice %arg10[%and3A_121, %gather3A_240, %gather3A_241] : memref<2x128x128xf32, #tpu.memory_space<vmem>> -> memref<1x128x128xf32, #tpu.memory_space<vmem>>
        %gather3A_243 = tpu.memref_squeeze %gather3A_242 : memref<1x128x128xf32, #tpu.memory_space<vmem>> -> memref<128x128xf32, #tpu.memory_space<vmem>>
        %gather3A_244 = tpu.vector_load_idx %gather3A_243[%add3A_87, %and3A_234] : memref<128x128xf32, #tpu.memory_space<vmem>>[vector<16xi32>, vector<16xi32>], vector<16xf32>,
        %sub3A = arith.subf %gather3A_239, %gather3A_244 : vector<16xf32>
        %add3A_245 = arith.addf %sub3A, %gather3A : vector<16xf32>
        %abs3A = math.absf %add3A_245 : vector<16xf32>
        %add3A_246 = arith.addf %scan3A_222, %abs3A : vector<16xf32>
        %gather3A_247 = arith.constant 0 : i32
        %gather3A_248 = arith.constant 0 : i32
        %gather3A_249 = tpu.memref_slice %arg9[%and3A_121, %gather3A_247, %gather3A_248] : memref<2x128x128xf32, #tpu.memory_space<vmem>> -> memref<1x128x128xf32, #tpu.memory_space<vmem>>
        %gather3A_250 = tpu.memref_squeeze %gather3A_249 : memref<1x128x128xf32, #tpu.memory_space<vmem>> -> memref<128x128xf32, #tpu.memory_space<vmem>>
        %gather3A_251 = tpu.vector_load_idx %gather3A_250[%add3A_90, %and3A_234] : memref<128x128xf32, #tpu.memory_space<vmem>>[vector<16xi32>, vector<16xi32>], vector<16xf32>,
        %gather3A_252 = arith.constant 0 : i32
        %gather3A_253 = arith.constant 0 : i32
        %gather3A_254 = tpu.memref_slice %arg10[%and3A_121, %gather3A_252, %gather3A_253] : memref<2x128x128xf32, #tpu.memory_space<vmem>> -> memref<1x128x128xf32, #tpu.memory_space<vmem>>
        %gather3A_255 = tpu.memref_squeeze %gather3A_254 : memref<1x128x128xf32, #tpu.memory_space<vmem>> -> memref<128x128xf32, #tpu.memory_space<vmem>>
        %gather3A_256 = tpu.vector_load_idx %gather3A_255[%add3A_90, %and3A_234] : memref<128x128xf32, #tpu.memory_space<vmem>>[vector<16xi32>, vector<16xi32>], vector<16xf32>,
        %sub3A_257 = arith.subf %gather3A_251, %gather3A_256 : vector<16xf32>
        %add3A_258 = arith.addf %sub3A_257, %gather3A : vector<16xf32>
        %abs3A_259 = math.absf %add3A_258 : vector<16xf32>
        %add3A_260 = arith.addf %scan3A_223, %abs3A_259 : vector<16xf32>
        %gather3A_261 = arith.constant 0 : i32
        %gather3A_262 = arith.constant 0 : i32
        %gather3A_263 = tpu.memref_slice %arg9[%and3A_121, %gather3A_261, %gather3A_262] : memref<2x128x128xf32, #tpu.memory_space<vmem>> -> memref<1x128x128xf32, #tpu.memory_space<vmem>>
        %gather3A_264 = tpu.memref_squeeze %gather3A_263 : memref<1x128x128xf32, #tpu.memory_space<vmem>> -> memref<128x128xf32, #tpu.memory_space<vmem>>
        %gather3A_265 = tpu.vector_load_idx %gather3A_264[%add3A_93, %and3A_234] : memref<128x128xf32, #tpu.memory_space<vmem>>[vector<16xi32>, vector<16xi32>], vector<16xf32>,
        %gather3A_266 = arith.constant 0 : i32
        %gather3A_267 = arith.constant 0 : i32
        %gather3A_268 = tpu.memref_slice %arg10[%and3A_121, %gather3A_266, %gather3A_267] : memref<2x128x128xf32, #tpu.memory_space<vmem>> -> memref<1x128x128xf32, #tpu.memory_space<vmem>>
        %gather3A_269 = tpu.memref_squeeze %gather3A_268 : memref<1x128x128xf32, #tpu.memory_space<vmem>> -> memref<128x128xf32, #tpu.memory_space<vmem>>
        %gather3A_270 = tpu.vector_load_idx %gather3A_269[%add3A_93, %and3A_234] : memref<128x128xf32, #tpu.memory_space<vmem>>[vector<16xi32>, vector<16xi32>], vector<16xf32>,
        %sub3A_271 = arith.subf %gather3A_265, %gather3A_270 : vector<16xf32>
        %add3A_272 = arith.addf %sub3A_271, %gather3A : vector<16xf32>
        %abs3A_273 = math.absf %add3A_272 : vector<16xf32>
        %add3A_274 = arith.addf %scan3A_224, %abs3A_273 : vector<16xf32>
        %gather3A_275 = arith.constant 0 : i32
        %gather3A_276 = arith.constant 0 : i32
        %gather3A_277 = tpu.memref_slice %arg9[%and3A_121, %gather3A_275, %gather3A_276] : memref<2x128x128xf32, #tpu.memory_space<vmem>> -> memref<1x128x128xf32, #tpu.memory_space<vmem>>
        %gather3A_278 = tpu.memref_squeeze %gather3A_277 : memref<1x128x128xf32, #tpu.memory_space<vmem>> -> memref<128x128xf32, #tpu.memory_space<vmem>>
        %gather3A_279 = tpu.vector_load_idx %gather3A_278[%add3A_96, %and3A_234] : memref<128x128xf32, #tpu.memory_space<vmem>>[vector<16xi32>, vector<16xi32>], vector<16xf32>,
        %gather3A_280 = arith.constant 0 : i32
        %gather3A_281 = arith.constant 0 : i32
        %gather3A_282 = tpu.memref_slice %arg10[%and3A_121, %gather3A_280, %gather3A_281] : memref<2x128x128xf32, #tpu.memory_space<vmem>> -> memref<1x128x128xf32, #tpu.memory_space<vmem>>
        %gather3A_283 = tpu.memref_squeeze %gather3A_282 : memref<1x128x128xf32, #tpu.memory_space<vmem>> -> memref<128x128xf32, #tpu.memory_space<vmem>>
        %gather3A_284 = tpu.vector_load_idx %gather3A_283[%add3A_96, %and3A_234] : memref<128x128xf32, #tpu.memory_space<vmem>>[vector<16xi32>, vector<16xi32>], vector<16xf32>,
        %sub3A_285 = arith.subf %gather3A_279, %gather3A_284 : vector<16xf32>
        %add3A_286 = arith.addf %sub3A_285, %gather3A : vector<16xf32>
        %abs3A_287 = math.absf %add3A_286 : vector<16xf32>
        %add3A_288 = arith.addf %scan3A_225, %abs3A_287 : vector<16xf32>
        %gather3A_289 = arith.constant 0 : i32
        %gather3A_290 = arith.constant 0 : i32
        %gather3A_291 = tpu.memref_slice %arg9[%and3A_121, %gather3A_289, %gather3A_290] : memref<2x128x128xf32, #tpu.memory_space<vmem>> -> memref<1x128x128xf32, #tpu.memory_space<vmem>>
        %gather3A_292 = tpu.memref_squeeze %gather3A_291 : memref<1x128x128xf32, #tpu.memory_space<vmem>> -> memref<128x128xf32, #tpu.memory_space<vmem>>
        %gather3A_293 = tpu.vector_load_idx %gather3A_292[%add3A_99, %and3A_234] : memref<128x128xf32, #tpu.memory_space<vmem>>[vector<16xi32>, vector<16xi32>], vector<16xf32>,
        %gather3A_294 = arith.constant 0 : i32
        %gather3A_295 = arith.constant 0 : i32
        %gather3A_296 = tpu.memref_slice %arg10[%and3A_121, %gather3A_294, %gather3A_295] : memref<2x128x128xf32, #tpu.memory_space<vmem>> -> memref<1x128x128xf32, #tpu.memory_space<vmem>>
        %gather3A_297 = tpu.memref_squeeze %gather3A_296 : memref<1x128x128xf32, #tpu.memory_space<vmem>> -> memref<128x128xf32, #tpu.memory_space<vmem>>
        %gather3A_298 = tpu.vector_load_idx %gather3A_297[%add3A_99, %and3A_234] : memref<128x128xf32, #tpu.memory_space<vmem>>[vector<16xi32>, vector<16xi32>], vector<16xf32>,
        %sub3A_299 = arith.subf %gather3A_293, %gather3A_298 : vector<16xf32>
        %add3A_300 = arith.addf %sub3A_299, %gather3A : vector<16xf32>
        %abs3A_301 = math.absf %add3A_300 : vector<16xf32>
        %add3A_302 = arith.addf %scan3A_226, %abs3A_301 : vector<16xf32>
        %gather3A_303 = arith.constant 0 : i32
        %gather3A_304 = arith.constant 0 : i32
        %gather3A_305 = tpu.memref_slice %arg9[%and3A_121, %gather3A_303, %gather3A_304] : memref<2x128x128xf32, #tpu.memory_space<vmem>> -> memref<1x128x128xf32, #tpu.memory_space<vmem>>
        %gather3A_306 = tpu.memref_squeeze %gather3A_305 : memref<1x128x128xf32, #tpu.memory_space<vmem>> -> memref<128x128xf32, #tpu.memory_space<vmem>>
        %gather3A_307 = tpu.vector_load_idx %gather3A_306[%add3A_102, %and3A_234] : memref<128x128xf32, #tpu.memory_space<vmem>>[vector<16xi32>, vector<16xi32>], vector<16xf32>,
        %gather3A_308 = arith.constant 0 : i32
        %gather3A_309 = arith.constant 0 : i32
        %gather3A_310 = tpu.memref_slice %arg10[%and3A_121, %gather3A_308, %gather3A_309] : memref<2x128x128xf32, #tpu.memory_space<vmem>> -> memref<1x128x128xf32, #tpu.memory_space<vmem>>
        %gather3A_311 = tpu.memref_squeeze %gather3A_310 : memref<1x128x128xf32, #tpu.memory_space<vmem>> -> memref<128x128xf32, #tpu.memory_space<vmem>>
        %gather3A_312 = tpu.vector_load_idx %gather3A_311[%add3A_102, %and3A_234] : memref<128x128xf32, #tpu.memory_space<vmem>>[vector<16xi32>, vector<16xi32>], vector<16xf32>,
        %sub3A_313 = arith.subf %gather3A_307, %gather3A_312 : vector<16xf32>
        %add3A_314 = arith.addf %sub3A_313, %gather3A : vector<16xf32>
        %abs3A_315 = math.absf %add3A_314 : vector<16xf32>
        %add3A_316 = arith.addf %scan3A_227, %abs3A_315 : vector<16xf32>
        %gather3A_317 = arith.constant 0 : i32
        %gather3A_318 = arith.constant 0 : i32
        %gather3A_319 = tpu.memref_slice %arg9[%and3A_121, %gather3A_317, %gather3A_318] : memref<2x128x128xf32, #tpu.memory_space<vmem>> -> memref<1x128x128xf32, #tpu.memory_space<vmem>>
        %gather3A_320 = tpu.memref_squeeze %gather3A_319 : memref<1x128x128xf32, #tpu.memory_space<vmem>> -> memref<128x128xf32, #tpu.memory_space<vmem>>
        %gather3A_321 = tpu.vector_load_idx %gather3A_320[%add3A_105, %and3A_234] : memref<128x128xf32, #tpu.memory_space<vmem>>[vector<16xi32>, vector<16xi32>], vector<16xf32>,
        %gather3A_322 = arith.constant 0 : i32
        %gather3A_323 = arith.constant 0 : i32
        %gather3A_324 = tpu.memref_slice %arg10[%and3A_121, %gather3A_322, %gather3A_323] : memref<2x128x128xf32, #tpu.memory_space<vmem>> -> memref<1x128x128xf32, #tpu.memory_space<vmem>>
        %gather3A_325 = tpu.memref_squeeze %gather3A_324 : memref<1x128x128xf32, #tpu.memory_space<vmem>> -> memref<128x128xf32, #tpu.memory_space<vmem>>
        %gather3A_326 = tpu.vector_load_idx %gather3A_325[%add3A_105, %and3A_234] : memref<128x128xf32, #tpu.memory_space<vmem>>[vector<16xi32>, vector<16xi32>], vector<16xf32>,
        %sub3A_327 = arith.subf %gather3A_321, %gather3A_326 : vector<16xf32>
        %add3A_328 = arith.addf %sub3A_327, %gather3A : vector<16xf32>
        %abs3A_329 = math.absf %add3A_328 : vector<16xf32>
        %add3A_330 = arith.addf %scan3A_228, %abs3A_329 : vector<16xf32>
        %gather3A_331 = arith.constant 0 : i32
        %gather3A_332 = arith.constant 0 : i32
        %gather3A_333 = tpu.memref_slice %arg9[%and3A_121, %gather3A_331, %gather3A_332] : memref<2x128x128xf32, #tpu.memory_space<vmem>> -> memref<1x128x128xf32, #tpu.memory_space<vmem>>
        %gather3A_334 = tpu.memref_squeeze %gather3A_333 : memref<1x128x128xf32, #tpu.memory_space<vmem>> -> memref<128x128xf32, #tpu.memory_space<vmem>>
        %gather3A_335 = tpu.vector_load_idx %gather3A_334[%add3A_108, %and3A_234] : memref<128x128xf32, #tpu.memory_space<vmem>>[vector<16xi32>, vector<16xi32>], vector<16xf32>,
        %gather3A_336 = arith.constant 0 : i32
        %gather3A_337 = arith.constant 0 : i32
        %gather3A_338 = tpu.memref_slice %arg10[%and3A_121, %gather3A_336, %gather3A_337] : memref<2x128x128xf32, #tpu.memory_space<vmem>> -> memref<1x128x128xf32, #tpu.memory_space<vmem>>
        %gather3A_339 = tpu.memref_squeeze %gather3A_338 : memref<1x128x128xf32, #tpu.memory_space<vmem>> -> memref<128x128xf32, #tpu.memory_space<vmem>>
        %gather3A_340 = tpu.vector_load_idx %gather3A_339[%add3A_108, %and3A_234] : memref<128x128xf32, #tpu.memory_space<vmem>>[vector<16xi32>, vector<16xi32>], vector<16xf32>,
        %sub3A_341 = arith.subf %gather3A_335, %gather3A_340 : vector<16xf32>
        %add3A_342 = arith.addf %sub3A_341, %gather3A : vector<16xf32>
        %abs3A_343 = math.absf %add3A_342 : vector<16xf32>
        %add3A_344 = arith.addf %scan3A_229, %abs3A_343 : vector<16xf32>
        scf.yield %add3A_246, %add3A_260, %add3A_274, %add3A_288, %add3A_302, %add3A_316, %add3A_330, %add3A_344 : vector<16xf32>, vector<16xf32>, vector<16xf32>, vector<16xf32>, vector<16xf32>, vector<16xf32>, vector<16xf32>, vector<16xf32>
      }
      %scan3A_173 = arith.constant 128 : i32
      %mul3A_174 = arith.constant 128 : i32
      %mul3A_175 = arith.muli %add3A_120, %mul3A_174 : i32
      %add3A_176 = arith.constant 0 : i32
      %add3A_177 = arith.addi %mul3A_175, %add3A_176 : i32
      %swap3A = arith.index_cast %add3A_177 : i32 to index
      %swap3A_178 = tpu.vector_load %arg11[%swap3A] {strides = array<i32>} : memref<512xf32, #tpu.memory_space<vmem>>, vector<16xf32>,
      tpu.vector_store %arg11[%swap3A], %scan3A_172#0 {strides = array<i32>} : memref<512xf32, #tpu.memory_space<vmem>>, vector<16xf32>,
      %mul3A_179 = arith.constant 128 : i32
      %mul3A_180 = arith.muli %add3A_120, %mul3A_179 : i32
      %add3A_181 = arith.constant 16 : i32
      %add3A_182 = arith.addi %mul3A_180, %add3A_181 : i32
      %swap3A_183 = arith.index_cast %add3A_182 : i32 to index
      %swap3A_184 = tpu.vector_load %arg11[%swap3A_183] {strides = array<i32>} : memref<512xf32, #tpu.memory_space<vmem>>, vector<16xf32>,
      tpu.vector_store %arg11[%swap3A_183], %scan3A_172#1 {strides = array<i32>} : memref<512xf32, #tpu.memory_space<vmem>>, vector<16xf32>,
      %mul3A_185 = arith.constant 128 : i32
      %mul3A_186 = arith.muli %add3A_120, %mul3A_185 : i32
      %add3A_187 = arith.constant 32 : i32
      %add3A_188 = arith.addi %mul3A_186, %add3A_187 : i32
      %swap3A_189 = arith.index_cast %add3A_188 : i32 to index
      %swap3A_190 = tpu.vector_load %arg11[%swap3A_189] {strides = array<i32>} : memref<512xf32, #tpu.memory_space<vmem>>, vector<16xf32>,
      tpu.vector_store %arg11[%swap3A_189], %scan3A_172#2 {strides = array<i32>} : memref<512xf32, #tpu.memory_space<vmem>>, vector<16xf32>,
      %mul3A_191 = arith.constant 128 : i32
      %mul3A_192 = arith.muli %add3A_120, %mul3A_191 : i32
      %add3A_193 = arith.constant 48 : i32
      %add3A_194 = arith.addi %mul3A_192, %add3A_193 : i32
      %swap3A_195 = arith.index_cast %add3A_194 : i32 to index
      %swap3A_196 = tpu.vector_load %arg11[%swap3A_195] {strides = array<i32>} : memref<512xf32, #tpu.memory_space<vmem>>, vector<16xf32>,
      tpu.vector_store %arg11[%swap3A_195], %scan3A_172#3 {strides = array<i32>} : memref<512xf32, #tpu.memory_space<vmem>>, vector<16xf32>,
      %mul3A_197 = arith.constant 128 : i32
      %mul3A_198 = arith.muli %add3A_120, %mul3A_197 : i32
      %add3A_199 = arith.constant 64 : i32
      %add3A_200 = arith.addi %mul3A_198, %add3A_199 : i32
      %swap3A_201 = arith.index_cast %add3A_200 : i32 to index
      %swap3A_202 = tpu.vector_load %arg11[%swap3A_201] {strides = array<i32>} : memref<512xf32, #tpu.memory_space<vmem>>, vector<16xf32>,
      tpu.vector_store %arg11[%swap3A_201], %scan3A_172#4 {strides = array<i32>} : memref<512xf32, #tpu.memory_space<vmem>>, vector<16xf32>,
      %mul3A_203 = arith.constant 128 : i32
      %mul3A_204 = arith.muli %add3A_120, %mul3A_203 : i32
      %add3A_205 = arith.constant 80 : i32
      %add3A_206 = arith.addi %mul3A_204, %add3A_205 : i32
      %swap3A_207 = arith.index_cast %add3A_206 : i32 to index
      %swap3A_208 = tpu.vector_load %arg11[%swap3A_207] {strides = array<i32>} : memref<512xf32, #tpu.memory_space<vmem>>, vector<16xf32>,
      tpu.vector_store %arg11[%swap3A_207], %scan3A_172#5 {strides = array<i32>} : memref<512xf32, #tpu.memory_space<vmem>>, vector<16xf32>,
      %mul3A_209 = arith.constant 128 : i32
      %mul3A_210 = arith.muli %add3A_120, %mul3A_209 : i32
      %add3A_211 = arith.constant 96 : i32
      %add3A_212 = arith.addi %mul3A_210, %add3A_211 : i32
      %swap3A_213 = arith.index_cast %add3A_212 : i32 to index
      %swap3A_214 = tpu.vector_load %arg11[%swap3A_213] {strides = array<i32>} : memref<512xf32, #tpu.memory_space<vmem>>, vector<16xf32>,
      tpu.vector_store %arg11[%swap3A_213], %scan3A_172#6 {strides = array<i32>} : memref<512xf32, #tpu.memory_space<vmem>>, vector<16xf32>,
      %mul3A_215 = arith.constant 128 : i32
      %mul3A_216 = arith.muli %add3A_120, %mul3A_215 : i32
      %add3A_217 = arith.constant 112 : i32
      %add3A_218 = arith.addi %mul3A_216, %add3A_217 : i32
      %swap3A_219 = arith.index_cast %add3A_218 : i32 to index
      %swap3A_220 = tpu.vector_load %arg11[%swap3A_219] {strides = array<i32>} : memref<512xf32, #tpu.memory_space<vmem>>, vector<16xf32>,
      tpu.vector_store %arg11[%swap3A_219], %scan3A_172#7 {strides = array<i32>} : memref<512xf32, #tpu.memory_space<vmem>>, vector<16xf32>,
    }
    %scan3A_113 = arith.constant 4 : i32
    %mul3A_114 = arith.constant 512 : i32
    %mul3A_115 = arith.muli %add3A, %mul3A_114 : i32
    %multiple_of3A = tpu.assume_multiple %mul3A_115, 512 : i32
    "tpu.region"() ({
      %run_scoped3A = tpu.sem_alloc : memref<!tpu.dma_semaphore, #tpu.memory_space<semaphore_mem>>
      %dma_start3A_116 = tpu.memref_slice %arg6[%multiple_of3A] : memref<16384xf32, #tpu.memory_space<hbm>> -> memref<512xf32, #tpu.memory_space<hbm>>
      %dma_start3A_117 = tpu.memref_slice %arg6[%multiple_of3A] : memref<16384xf32, #tpu.memory_space<hbm>> -> memref<512xf32, #tpu.memory_space<hbm>>
      tpu.enqueue_dma source(%arg11 : memref<512xf32, #tpu.memory_space<vmem>>) target(%dma_start3A_117 : memref<512xf32, #tpu.memory_space<hbm>>) target_semaphore(%run_scoped3A : memref<!tpu.dma_semaphore, #tpu.memory_space<semaphore_mem>>)
      %dma_wait3A_118 = tpu.memref_slice %arg6[%multiple_of3A] : memref<16384xf32, #tpu.memory_space<hbm>> -> memref<512xf32, #tpu.memory_space<hbm>>
      %dma_wait3A_119 = tpu.memref_slice %arg6[%multiple_of3A] : memref<16384xf32, #tpu.memory_space<hbm>> -> memref<512xf32, #tpu.memory_space<hbm>>
      tpu.wait_dma2 semaphore(%run_scoped3A : memref<!tpu.dma_semaphore, #tpu.memory_space<semaphore_mem>>) src(%arg11 : memref<512xf32, #tpu.memory_space<vmem>>) dst(%dma_wait3A_119 : memref<512xf32, #tpu.memory_space<hbm>>)
      tpu.yield
    }) : () -> ()
    return
  }
}

</mosaic_0001>

<sc_bundles>
// kernel: _transe_sc.3.cloned.1.call-start
scs
__scs_entry_jumppad:
0x0: {  	(pc) =	sbr.rel $0x88, $3  }
0x1: {  	(tag) =	ssettag $0x0;
	lr =	simm.s32 $0x1  }
0x2: {  	[smem:$0x3F9D] =	sst lr;
	_ =	strace $0xD0000000  }
0x3: {  	_ = 	snop  }
0x4: {  	_ = 	snop  }
0x5: {  	_ = 	snop  }
0x6: {  	_ = 	snop  }
0x7: {  	_ = 	snop  }
__scs_overlays_trampoline_lowered:
0x8: {  	[smem:$0x3FAC] =	sst s0  }
0x9: {  	[smem:$0x3FAD] =	sst s1  }
0xa: {  	[smem:$0x3FAE] =	sst s2  }
0xb: {  	[smem:$0x3FAF] =	sst s3  }
0xc: {  	[smem:$0x3FB0] =	sst s4  }
0xd: {  	[smem:$0x3FB1] =	sst s5  }
0xe: {  	[smem:$0x3FB2] =	sst s6  }
0xf: {  	[smem:$0x3FB3] =	sst s7  }
0x10: {  	[smem:$0x3FB4] =	sst s8  }
0x11: {  	[smem:$0x3FB5] =	sst s9;
	s0 =	simm.s32 @!p0 $0x0  }
0x12: {  	s1 =	sld [smem:$0x3F9B];
	s0 =	simm.s32 @p0 $0x1  }
0x13: {  	[smem:$0x3FB6] =	sst s0;
	s0 =	simm.s32 @!p1 $0x0  }
0x14: {  	s2 =	sld [smem:$0x3F9A];
	s0 =	simm.s32 @p1 $0x1  }
0x15: {  	[smem:$0x3FB7] =	sst s0;
	s0 =	simm.s32 @!p2 $0x0  }
0x16: {  	s3 =	sld [smem:$0x3FDB];
	s0 =	simm.s32 @p2 $0x1  }
0x17: {  	s4 =	simm.s32 $0x1BF5;
	[smem:$0x3FB9] =	sst s0  }
0x18: {  	s0 =	sld [smem:$0x3F9C];
	_ =	swait.ge [sflag:s4], $0x0  }
0x19: {  	s7 =	sld [smem:$0x3F9D]  }
0x1a: {  	s8 =	sadd.s32 $0xFFFFE003, lr  }
0x1b: {  	s9 =	sadd.s32 $0xFFFFFEF7, lr;
	s5 =	simm.s32 $0xFFFFFFFF;
	p2 =	slt.u32 s8, $0xFFFFF086  }
0x1c: {  	p1 =	slt.u32 s9, $0xF7A;
	s5 =	simm.s32 @!p2 $0x0  }
0x1d: {  	s5 =	simm.s32 @p1 $0x1;
	p0 =	seq.s32 s7, s2  }
0x1e: {  	s7 =	smul.u32 @!p0 $0xF7A, s2;
	p2 =	seq.s32 @!p0 s5, $0x0  }
0x1f: {  	s9 =	smul.u32 $0xF7A, s1;
	s8 =	simm.s32 @!p0 $0x1BF5;
	p2 =	por !p2, p0  }
0x20: {  	[sflag:s8] =	ssyncset.s32 @!p0 $0xFFFFF086;
	s6 =	sadd.s32 @!p0 s3, s7;
	s7 =	simm.s32 @!p0 $0x108  }
0x21: {  	s3 =	sadd.s32 s3, s9;
	s6 =	sadd.s32 @!p0 $0x88, s6;
	s7 =	simm.s32 @p2 $0x1082  }
0x22: {  	[simem:s7], [sflag:s8] =	dma.local @!p0 [hbm:s6], $0xF7A  }
0x23: {  	s9 =	sor.u32 $0xD0000000, s2;
	s6 =	simm.s32 $0x108;
	_ =	swait.ge @!p0 [sflag:s8], $0x0  }
0x24: {  	s3 =	sadd.s32 $0x88, s3;
	s6 =	simm.s32 @!p1 $0x1082;
	[sflag:s4] =	ssyncset.s32 $0xFFFFF086  }
0x25: {  	[simem:s6], [sflag:s4] =	dma.local [hbm:s3], $0xF7A  }
0x26: {  	[smem:$0x3F9D] =	sst s1;
	(tag) =	ssettag s2;
	_ =	strace s9  }
0x27: {  	s1 =	sld [smem:$0x3FAD]  }
0x28: {  	s2 =	sld [smem:$0x3FAE]  }
0x29: {  	s4 =	sld [smem:$0x3FB0]  }
0x2a: {  	p0 =	seq.s32 s5, $0x0;
	s5 =	sld [smem:$0x3FB1]  }
0x2b: {  	s6 =	sld [smem:$0x3FB2]  }
0x2c: {  	s7 =	sld [smem:$0x3FB3]  }
0x2d: {  	s3 =	simm.s32 $0x108;
	s8 =	sld [smem:$0x3FB4]  }
0x2e: {  	s3 =	simm.s32 @!p0 $0x1082;
	s9 =	sld [smem:$0x3FB5]  }
0x2f: {  	lr =	sadd.s32 s0, s3;
	s0 =	sld [smem:$0x3FAC]  }
0x30: {  	s3 =	sld [smem:$0x3FAF]  }
0x31: {  	[smem:$0x3FB8] =	sst s10  }
0x32: {  	s10 =	sld [smem:$0x3FB6];
	_ =	sdelay $0x3  }
0x33: {  	p0 =	seq.s32 s10, $0x1;
	s10 =	sld [smem:$0x3FB8];
	_ =	sdelay $0x3  }
0x34: {  	[smem:$0x3FB8] =	sst s10  }
0x35: {  	s10 =	sld [smem:$0x3FB7];
	_ =	sdelay $0x3  }
0x36: {  	p1 =	seq.s32 s10, $0x1;
	s10 =	sld [smem:$0x3FB8];
	_ =	sdelay $0x3  }
0x37: {  	[smem:$0x3FB8] =	sst s10  }
0x38: {  	s10 =	sld [smem:$0x3FB9]  }
0x39: {  	_ = 	snop;
	(pc) =	sbr.ind lr, $3  }
0x3a: {  	_ = 	snop  }
0x3b: {  	_ = 	snop  }
0x3c: {  	p2 =	seq.s32 s10, $0x1;
	s10 =	sld [smem:$0x3FB8]  }
0x3d: {  	_ =	shalt  }
0x3e: {  	_ =	shalt  }
0x3f: {  	_ =	shalt  }
0x40: {  	_ =	shalt  }
0x41: {  	_ =	shalt  }
0x42: {  	_ =	shalt  }
0x43: {  	_ =	shalt  }
0x44: {  	_ =	shalt  }
0x45: {  	_ =	shalt  }
0x46: {  	_ =	shalt  }
0x47: {  	_ =	shalt  }
0x48: {  	_ =	shalt  }
0x49: {  	_ =	shalt  }
0x4a: {  	_ =	shalt  }
0x4b: {  	_ =	shalt  }
0x4c: {  	_ =	shalt  }
0x4d: {  	_ =	shalt  }
0x4e: {  	_ =	shalt  }
0x4f: {  	_ =	shalt  }
0x50: {  	_ =	shalt  }
0x51: {  	_ =	shalt  }
0x52: {  	_ =	shalt  }
0x53: {  	_ =	shalt  }
0x54: {  	_ =	shalt  }
0x55: {  	_ =	shalt  }
0x56: {  	_ =	shalt  }
0x57: {  	_ =	shalt  }
0x58: {  	_ =	shalt  }
0x59: {  	_ =	shalt  }
0x5a: {  	_ =	shalt  }
0x5b: {  	_ =	shalt  }
0x5c: {  	_ =	shalt  }
0x5d: {  	_ =	shalt  }
0x5e: {  	_ =	shalt  }
0x5f: {  	_ =	shalt  }
0x60: {  	_ =	shalt  }
0x61: {  	_ =	shalt  }
0x62: {  	_ =	shalt  }
0x63: {  	_ =	shalt  }
0x64: {  	_ =	shalt  }
0x65: {  	_ =	shalt  }
0x66: {  	_ =	shalt  }
0x67: {  	_ =	shalt  }
0x68: {  	_ =	shalt  }
0x69: {  	_ =	shalt  }
0x6a: {  	_ =	shalt  }
0x6b: {  	_ =	shalt  }
0x6c: {  	_ =	shalt  }
0x6d: {  	_ =	shalt  }
0x6e: {  	_ =	shalt  }
0x6f: {  	_ =	shalt  }
0x70: {  	_ =	shalt  }
0x71: {  	_ =	shalt  }
0x72: {  	_ =	shalt  }
0x73: {  	_ =	shalt  }
0x74: {  	_ =	shalt  }
0x75: {  	_ =	shalt  }
0x76: {  	_ =	shalt  }
0x77: {  	_ =	shalt  }
0x78: {  	_ =	shalt  }
0x79: {  	_ =	shalt  }
0x7a: {  	_ =	shalt  }
0x7b: {  	_ =	shalt  }
0x7c: {  	_ =	shalt  }
0x7d: {  	_ =	shalt  }
0x7e: {  	_ =	shalt  }
0x7f: {  	_ =	shalt  }
0x80: {  	_ =	shalt  }
0x81: {  	_ =	shalt  }
0x82: {  	_ =	shalt  }
0x83: {  	_ =	shalt  }
0x84: {  	_ =	shalt  }
0x85: {  	_ =	shalt  }
0x86: {  	_ =	shalt  }
0x87: {  	_ =	shalt  }
.Lfunc_end0:
.L_simem_size_0:
called_computation_lowered:
.L_overlay_start_0:
0x88: {  	s2 =	sld [smem:$0x3FD9]  }
0x89: {  	s3 =	sld [smem:$0x3FFE];
	_ =	sdelay $0x1  }
0x8a: {  	s1 =	srdreg.scid  }
0x8b: {  	s0 =	sand.u32 $0x1, s1  }
0x8c: {  	s18 =	sshll.u32 s0, $0xA;
	s2 =	sadd.s32 s3, s2  }
0x8d: {  	s2 =	sadd.s32 s2, s18  }
0x8e: {  	[smem:$0x3FC4] =	sst s2  }
0x8f: {  	_ = 	snop  }
0x90: {  	s2 =	sld [smem:$0x3FC9]  }
0x91: {  	s19 =	sld [smem:$0x3FC8]  }
0x92: {  	s4 =	sld [smem:$0x3FC7]  }
0x93: {  	s5 =	sld [smem:$0x3FC6]  }
0x94: {  	s6 =	sld [smem:$0x3FD0];
	(tm) =	ssettm $0x1  }
0x95: {  	s7 =	sld [smem:$0x3FFB];
	_ =	sdelay $0x3  }
0x96: {  	_ =	strace s7  }
0x97: {  	s7 =	sld [smem:$0x3FFC];
	_ =	sdelay $0x3  }
0x98: {  	_ =	strace s7  }
0x99: {  	s7 =	sld [smem:$0x3FFD];
	_ =	sdelay $0x3  }
0x9a: {  	_ =	strace s7  }
0x9b: {  	_ =	strace $0x8FFFFFFF  }
0x9c: {  	s20 =	sld [smem:$0x3FDB];
	_ =	sdelay $0x1  }
0x9d: {  	s8 =	simm.s32 $_scs_section_size  }
0x9e: {  	s9 =	simm.s32 $_size__tile_overlayer_lowered;
	s10 =	simm.s32 $_tile_overlayer_lowered  }
0x9f: {  	s23 =	simm.s32 $0x1BFF;
	s22 =	sshll.u32 s10, $0x1;
	s7 =	sadd.s32 s8, s20  }
0xa0: {  	s11 =	simm.s32 $0x0;
	s21 =	sshll.u32 s9, $0x1;
	s9 =	sadd.s32 s22, s7  }
0xa1: {  	[timem:s11], [sflag:s23] =	dma.local [hbm:s9], s21  }
0xa2: {  	_ =	swait.ge [sflag:s23], s21  }
0xa3: {  	s8 =	ssub.s32 $0x0, s21;
	[sflag:s23] =	ssyncset.done $0x0  }
0xa4: {  	[sflag:s23] =	ssyncadd.s32 s8;
	_ =	sdelay $0x1  }
0xa5: {  	s24 =	simm.s32 $0x1B8B  }
0xa6: {  	_ =	swait.ge [sflag:s24], $0x1  }
0xa7: {  	[sflag:s24] =	ssyncset.done $0x0  }
0xa8: {  	s25 =	simm.s32 $0x1B8E;
	[sflag:s24] =	ssyncadd.s32 $0xFFFFFFFF  }
0xa9: {  	s26 =	simm.s32 $execute0_lowered;
	[smem:$0x3FD2] =	sst s25  }
0xaa: {  	s8 =	sshll.u32 s26, $0x1;
	_ =	strace $0x80000046;
	[dreg:$0x1] =	wrdreg $0xFFFFFFFF  }
0xab: {  	s28 =	simm.s32 $_size_execute0_lowered;
	s7 =	sadd.s32 s7, s8;
	[dreg:$0x0] =	wrdreg $0x0  }
0xac: {  	s8 =	sshll.u32 s28, $0x1;
	[dreg:$0x2] =	wrdreg s7  }
0xad: {  	[dreg:$0x3] =	wrdreg s8  }
0xae: {  	[dreg:$0x4] =	wrdreg $0xC0  }
0xaf: {  	_ =	task [dreg:s11], $0x5FFFF  }
0xb0: {  	[dreg:$0x1] =	wrdreg $0xFFFFFFFF  }
0xb1: {  	[dreg:$0x0] =	wrdreg $0x60  }
0xb2: {  	[dreg:$0x2] =	wrdreg s2  }
0xb3: {  	[dreg:$0x3] =	wrdreg s19  }
0xb4: {  	[dreg:$0x4] =	wrdreg s4  }
0xb5: {  	[dreg:$0x5] =	wrdreg s5  }
0xb6: {  	[dreg:$0x6] =	wrdreg s6  }
0xb7: {  	[dreg:$0x7] =	wrdreg $0x9  }
0xb8: {  	_ =	task.clear_ibuf [dreg:s11], $0x8FFFF;
	_ =	strace $0x90000046  }
0xb9: {  	s29 =	simm.s32 $0x9;
	_ =	strace $0x80000048  }
0xba: {  	_ =	swait.ge [sflag:s29], $0x1  }
0xbb: {  	[sflag:s29] =	ssyncadd.s32 $0xFFFFFFFF  }
0xbc: {  	_ =	strace $0x90000048  }
0xbd: {  	_ =	sfence  }
0xbe: {  	s30 =	sld [smem:$0x0];
	_ =	sdelay $0x2  }
0xbf: {  	s31 =	sshll.u32 s1, $0xD;
	s1 =	sshrl.u32 s1, $0x2  }
0xc0: {  	s3 =	sand.u32 $0x4000, s31;
	s1 =	sadd.s32 s1, s30  }
0xc1: {  	s0 =	sor.u32 s3, s0;
	s1 =	sshll.u32 s1, $0x11  }
0xc2: {  	s0 =	sor.u32 s1, s0  }
0xc3: {  	s0 =	sadd.s32 $0x8F2B, s0  }
0xc4: {  	[sflag:s0] =	ssyncadd.remote.s32 $0x1  }
0xc5: {  	_ =	sfence.sel $0xFFFF  }
0xc6: {  	[dreg:$0x0] =	wrdreg $0xFFFFFFFF;
	(pc) =	sbr.abs _section_cstart, $3  }
0xc7: {  	[dreg:$0x1] =	wrdreg $0xFFFFFFFF  }
0xc8: {  	_ =	task.clear_ibuf [dreg:s11], $0x2FFFF;
	_ =	strace $0x9FFFFFFF  }
0xc9: {  	(tm) =	ssettm $0x7FFFFFFF  }
tec
execute0_lowered:
.L_overlay_start_1:
0x0: {  	(tag) =	ssettag $0x1  }
0x1: {  	s5 =	rddreg [dreg:$0x0]  }
0x2: {  	s6 =	rddreg [dreg:$0x1]  }
0x3: {  	s1 =	rddreg [dreg:$0x2]  }
0x4: {  	s2 =	rddreg [dreg:$0x3]  }
0x5: {  	s7 =	rddreg [dreg:$0x4]  }
0x6: {  	s0 =	rddreg [dreg:$0x5];
	s8 =	srdreg.scid  }
0x7: {  	s4 =	simm.s32 $0x0;
	s3 =	stileid.u32;
	s12 =	simm.s32 $0x80  }
0x8: {  	s13 =	simm.s32 $0x480;
	s14 =	simm.s32 $0x8480;
	s15 =	simm.s32 $0x10480  }
0x9: {  	v0 =	vlaneseq.u32;
	s16 =	simm.s32 $0x4;
	s17 =	simm.s32 $0x0;
	s8 =	sand.u32 $0x1, s8  }
0xa: {  	s10 =	sshll.u32 s3, $0x7;
	[smem:$0x7FF] =	sst s4;
	v1 =	vmul.u32 $0x80, v0;
	s9 =	ssub.s32 $0x2, s8  }
0xb: {  	s8 =	sshll.u32 s8, $0x6;
	_ =	strace $0x80000047;
	s11 =	sshrl.u32 s9, $0x1  }
0xc: {  	s8 =	sor.u32 s8, s10;
	s10 =	simm.s32 $0x200;
	v2 =	vor.u32 $0x800, v1;
	s9 =	ssub.s32 s9, s11  }
0xd: {  	v3 =	vor.u32 $0x1000, v1;
	v4 =	vor.u32 $0x1800, v1;
	v5 =	vor.u32 $0x2000, v1;
	s5 =	sadd.s32 s5, s8;
	s6 =	sadd.s32 s6, s8;
	s7 =	sadd.s32 s7, s8  }
0xe: {  	v6 =	vor.u32 $0x2800, v1;
	v7 =	vor.u32 $0x3000, v1;
	v8 =	vor.u32 $0x3800, v1;
	s11 =	simm.s32 $0x3;
	s8 =	smax.u32 s9, $0x1;
	s9 =	simm.s32 $0x400  }
.LBB2_1:
0xf: {  	[tilespmem:s9], [sflag:$0x3] =	stream.linear.gather [hbm4b:s1+s4], $0x80, $0x38;
	[tilespmem:$0x10680] =	vst v63  }
0x10: {  	_ = 	snop  }
0x11: {  	[tilespmem:s4], [sflag:$0x3] =	stream.linear.gather [hbm4b:s5+s4], $0x200, $0x38;
	[tilespmem:$0x10680] =	vst v63  }
0x12: {  	_ = 	snop  }
0x13: {  	[tilespmem:s10], [sflag:$0x3] =	stream.linear.gather [hbm4b:s6+s4], $0x200, $0x38;
	[tilespmem:$0x10680] =	vst v63  }
0x14: {  	_ =	swait.ge [sflag:s11], $0x80  }
0x15: {  	[sflag:s11] =	ssyncset.done $0x0  }
0x16: {  	[sflag:s11] =	ssyncadd.s32 $0xFFFFFF80  }
0x17: {  	_ =	swait.ge [sflag:s11], $0x200  }
0x18: {  	[sflag:s11] =	ssyncset.done $0x0  }
0x19: {  	[sflag:s11] =	ssyncadd.s32 $0xFFFFFE00  }
0x1a: {  	_ =	swait.ge [sflag:s11], $0x200  }
0x1b: {  	[sflag:s11] =	ssyncset.done $0x0  }
0x1c: {  	[sflag:s11] =	ssyncadd.s32 $0xFFFFFE00  }
0x1d: {  	[tilespmem:s13], [sflag:$0x1] =	stream.indirect.gather [hbm4b:s2+s12], $0x80, s4, s12, $0xb8;
	[tilespmem:$0x10680] =	vst v63  }
0x1e: {  	s19 =	simm.s32 $0x0  }
0x1f: {  	[tilespmem:s14], [sflag:$0x1] =	stream.indirect.gather [hbm4b:s2+s12], $0x80, s10, s12, $0xb8;
	[tilespmem:$0x10680] =	vst v63  }
.LBB2_2:
0x20: {  	s18 =	sadd.s32 $0x1, s19;
	p0 =	seq.s32 s19, $0x3  }
0x21: {  	s20 =	sand.u32 @!p0 $0x1, s18  }
0x22: {  	s23 =	sshll.u32 @!p0 s18, $0x7;
	s24 =	simm.s32 @!p0 $0x80;
	s21 =	sshll.u32 @!p0 s20, $0xE  }
0x23: {  	s23 =	sand.u32 @!p0 $0x3FFFFF80, s23;
	s20 =	sadd.s32 @!p0 $0x1, s20;
	s22 =	sor.u32 @!p0 $0x480, s21  }
0x24: {  	[tilespmem:s22], [sflag:s20] =	stream.indirect.gather @!p0 [hbm4b:s2+s24], $0x80, s23, s24, $0xb8;
	[tilespmem:$0x10680] =	vst v63  }
0x25: {  	s22 =	sshll.u32 @!p0 s19, $0x7  }
0x26: {  	s28 =	sand.u32 $0x1, s19;
	s29 =	simm.s32 $0x0;
	s22 =	sand.u32 @!p0 $0x3FFFFF80, s22  }
0x27: {  	s30 =	sadd.s32 $0x1, s28;
	s21 =	sor.u32 @!p0 $0x8480, s21;
	s22 =	sadd.s32 @!p0 $0x280, s22  }
0x28: {  	v9 =	vadd.s32 s29, v0;
	[tilespmem:s21], [sflag:s20] =	stream.indirect.gather @!p0 [hbm4b:s2+s24], $0x80, s22, s24, $0xb8;
	[tilespmem:$0x10680] =	vst v63  }
0x29: {  	v10 =	vand.u32 $0x7F, v9;
	_ =	swait.ge [sflag:s30], $0x4000  }
0x2a: {  	v9 =	vor.u32 v8, v10;
	[sflag:s30] =	ssyncset.done $0x0  }
0x2b: {  	[sflag:s30] =	ssyncadd.s32 $0xFFFFC000  }
0x2c: {  	v12 =	vor.u32 v1, v10;
	_ =	swait.ge [sflag:s30], $0x4000  }
0x2d: {  	s20 =	sshll.u32 s28, $0xE;
	[sflag:s30] =	ssyncset.done $0x0  }
0x2e: {  	s21 =	sor.u32 $0x480, s20;
	[sflag:s30] =	ssyncadd.s32 $0xFFFFC000  }
0x2f: {  	v14 =	vor.u32 v2, v10;
	s20 =	sor.u32 $0x8480, s20;
	v13 =	vld.idx.msk [tilespmem:v9+s21+$0x0], $0xffff  }
0x30: {  	v9 =	vld.idx.msk [tilespmem:v9+s20+$0x0], $0xffff  }
0x31: {  	v16 =	vor.u32 v3, v10;
	v15 =	vld.idx.msk [tilespmem:v12+s21+$0x0], $0xffff  }
0x32: {  	v11 =	vld.idx.msk [tilespmem:v10+s9+$0x0], $0xffff  }
0x33: {  	v29 =	vor.u32 v4, v10;
	v12 =	vld.idx.msk [tilespmem:v12+s20+$0x0], $0xffff  }
0x34: {  	v23 =	vld.idx.msk [tilespmem:v14+s21+$0x0], $0xffff  }
0x35: {  	v17 =	vimm.f32 $0.0e+00;
	v21 =	vor.u32 v5, v10;
	v24 =	vld.idx.msk [tilespmem:v14+s20+$0x0], $0xffff  }
0x36: {  	s31 =	simm.s32 $0x1;
	v19 =	vor.u32 v6, v10;
	v20 =	vor.u32 v7, v10;
	v25 =	vld.idx.msk [tilespmem:v16+s21+$0x0], $0xffff;
	v13 =	vsub.f32 v13, v9  }
0x37: {  	v27 =	vld.idx.msk [tilespmem:v16+s20+$0x0], $0xffff;
	v10 =	vadd.s32 s31, v0;
	v16 =	vimm.f32 $0.0e+00;
	v14 =	vimm.f32 $0.0e+00  }
0x38: {  	v26 =	vld.idx.msk [tilespmem:v29+s21+$0x0], $0xffff;
	v22 =	vand.u32 $0x7F, v10;
	v10 =	vimm.f32 $0.0e+00;
	v13 =	vadd.f32 v13, v11  }
0x39: {  	v30 =	vld.idx.msk [tilespmem:v29+s20+$0x0], $0xffff;
	v9 =	vimm.f32 $0.0e+00;
	v28 =	vsub.f32 v15, v12;
	v15 =	vimm.f32 $0.0e+00  }
0x3a: {  	s22 =	simm.s32 $0x2;
	v29 =	vld.idx.msk [tilespmem:v21+s21+$0x0], $0xffff;
	v12 =	vimm.f32 $0.0e+00;
	v18 =	vand.u32 $0x7FFFFFFF, v13;
	v13 =	vimm.f32 $0.0e+00  }
.LBB2_3:
0x3b: {  	p0 =	sne.s32 s22, $0x7F;
	v31 =	vor.u32 v1, v22;
	v32 =	vor.u32 v8, v22;
	v33 =	vld.idx.msk [tilespmem:v21+s20+$0x0], $0xffff;
	v9 =	vadd.f32 v18, v9  }
0x3c: {  	v18 =	vor.u32 v2, v22;
	v34 =	vor.u32 v3, v22;
	v35 =	vor.u32 v4, v22;
	v36 =	vld.idx.msk [tilespmem:v19+s21+$0x0], $0xffff  }
0x3d: {  	v21 =	vor.u32 v5, v22;
	v37 =	vor.u32 v7, v22;
	v38 =	vld.idx.msk [tilespmem:v19+s20+$0x0], $0xffff;
	v19 =	vor.u32 v6, v22  }
0x3e: {  	v23 =	vsub.f32 v23, v24;
	v24 =	vsub.f32 v25, v27;
	v25 =	vld.idx.msk [tilespmem:v20+s21+$0x0], $0xffff  }
0x3f: {  	v27 =	vadd.f32 v28, v11;
	v26 =	vsub.f32 v26, v30;
	v28 =	vld.idx.msk [tilespmem:v20+s20+$0x0], $0xffff;
	v20 =	vmov v37  }
0x40: {  	v23 =	vadd.f32 v23, v11;
	v24 =	vadd.f32 v24, v11;
	v30 =	vld.idx.msk [tilespmem:v32+s21+$0x0], $0xffff  }
0x41: {  	v27 =	vand.u32 $0x7FFFFFFF, v27;
	v26 =	vadd.f32 v26, v11;
	v29 =	vsub.f32 v29, v33;
	v32 =	vld.idx.msk [tilespmem:v32+s20+$0x0], $0xffff  }
0x42: {  	v17 =	vadd.f32 v27, v17;
	v23 =	vand.u32 $0x7FFFFFFF, v23;
	v24 =	vand.u32 $0x7FFFFFFF, v24;
	v33 =	vld.idx.msk [tilespmem:v31+s21+$0x0], $0xffff  }
0x43: {  	v26 =	vand.u32 $0x7FFFFFFF, v26;
	v27 =	vadd.f32 v29, v11;
	v29 =	vsub.f32 v36, v38;
	v22 =	vld.idx.msk [tilespmem:v22+s9+$0x0], $0xffff  }
0x44: {  	v16 =	vadd.f32 v23, v16;
	v15 =	vadd.f32 v24, v15;
	v31 =	vld.idx.msk [tilespmem:v31+s20+$0x0], $0xffff  }
0x45: {  	v27 =	vand.u32 $0x7FFFFFFF, v27;
	v29 =	vadd.f32 v29, v11;
	v28 =	vsub.f32 v25, v28;
	v23 =	vld.idx.msk [tilespmem:v18+s21+$0x0], $0xffff  }
0x46: {  	v13 =	vadd.f32 v26, v13;
	v14 =	vadd.f32 v27, v14;
	v24 =	vld.idx.msk [tilespmem:v18+s20+$0x0], $0xffff  }
.Ltmp0:
0x47: {  	v18 =	vsub.f32 v30, v32;
	v26 =	vand.u32 $0x7FFFFFFF, v29;
	v28 =	vadd.f32 v28, v11;
	v25 =	vld.idx.msk [tilespmem:v34+s21+$0x0], $0xffff;
	(pc) =	sbr.rel @p0 .LBB2_3-.Ltmp0, $4  }
0x48: {  	v12 =	vadd.f32 v26, v12;
	v27 =	vld.idx.msk [tilespmem:v34+s20+$0x0], $0xffff  }
0x49: {  	v18 =	vadd.f32 v18, v22;
	v29 =	vand.u32 $0x7FFFFFFF, v28;
	v11 =	vmov v22;
	v26 =	vld.idx.msk [tilespmem:v35+s21+$0x0], $0xffff  }
0x4a: {  	v22 =	vadd.s32 s22, v0;
	v28 =	vsub.f32 v33, v31;
	v10 =	vadd.f32 v29, v10;
	v30 =	vld.idx.msk [tilespmem:v35+s20+$0x0], $0xffff  }
0x4b: {  	s22 =	sadd.s32 $0x1, s22;
	v22 =	vand.u32 $0x7F, v22;
	v18 =	vand.u32 $0x7FFFFFFF, v18;
	v29 =	vld.idx.msk [tilespmem:v21+s21+$0x0], $0xffff  }
0x4c: {  	_ =	sdelay $0x3  }
0x4d: {  	v21 =	vld.idx.msk [tilespmem:v21+s20+$0x0], $0xffff  }
0x4e: {  	v31 =	vor.u32 v8, v22;
	v32 =	vld.idx.msk [tilespmem:v19+s21+$0x0], $0xffff  }
0x4f: {  	v61 =	vld.idx.msk [tilespmem:v19+s20+$0x0], $0xffff  }
0x50: {  	v33 =	vor.u32 v1, v22;
	v34 =	vld.idx.msk [tilespmem:v20+s21+$0x0], $0xffff  }
0x51: {  	v62 =	vld.idx.msk [tilespmem:v20+s20+$0x0], $0xffff  }
0x52: {  	v35 =	vor.u32 v2, v22;
	v63 =	vld.idx.msk [tilespmem:v22+s9+$0x0], $0xffff  }
0x53: {  	v36 =	vld.idx.msk [tilespmem:v31+s21+$0x0], $0xffff  }
0x54: {  	v37 =	vor.u32 v3, v22;
	v31 =	vld.idx.msk [tilespmem:v31+s20+$0x0], $0xffff  }
0x55: {  	v38 =	vld.idx.msk [tilespmem:v33+s21+$0x0], $0xffff  }
0x56: {  	v40 =	vor.u32 v4, v22;
	v33 =	vld.idx.msk [tilespmem:v33+s20+$0x0], $0xffff  }
0x57: {  	v42 =	vld.idx.msk [tilespmem:v35+s21+$0x0], $0xffff  }
0x58: {  	v41 =	vor.u32 v5, v22;
	v35 =	vld.idx.msk [tilespmem:v35+s20+$0x0], $0xffff  }
0x59: {  	v23 =	vsub.f32 v23, v24;
	v28 =	vadd.f32 v28, v11;
	v43 =	vld.idx.msk [tilespmem:v37+s21+$0x0], $0xffff  }
0x5a: {  	v44 =	vor.u32 v6, v22;
	v9 =	vadd.f32 v18, v9;
	v25 =	vsub.f32 v25, v27;
	v37 =	vld.idx.msk [tilespmem:v37+s20+$0x0], $0xffff  }
0x5b: {  	v23 =	vadd.f32 v23, v11;
	v28 =	vand.u32 $0x7FFFFFFF, v28;
	v26 =	vsub.f32 v26, v30;
	v45 =	vld.idx.msk [tilespmem:v40+s21+$0x0], $0xffff  }
0x5c: {  	v46 =	vor.u32 v7, v22;
	v25 =	vadd.f32 v25, v11;
	v17 =	vadd.f32 v28, v17;
	v47 =	vld.idx.msk [tilespmem:v40+s20+$0x0], $0xffff  }
0x5d: {  	v23 =	vand.u32 $0x7FFFFFFF, v23;
	v21 =	vsub.f32 v29, v21;
	v19 =	vsub.f32 v32, v61;
	v48 =	vld.idx.msk [tilespmem:v41+s21+$0x0], $0xffff  }
0x5e: {  	v26 =	vadd.f32 v26, v11;
	v16 =	vadd.f32 v23, v16;
	v49 =	vld.idx.msk [tilespmem:v41+s20+$0x0], $0xffff  }
0x5f: {  	v25 =	vand.u32 $0x7FFFFFFF, v25;
	v20 =	vsub.f32 v34, v62;
	v51 =	vld.idx.msk [tilespmem:v44+s21+$0x0], $0xffff;
	v21 =	vadd.f32 v21, v11  }
0x60: {  	v53 =	vld.idx.msk [tilespmem:v44+s20+$0x0], $0xffff;
	v15 =	vadd.f32 v25, v15;
	v26 =	vand.u32 $0x7FFFFFFF, v26;
	v19 =	vadd.f32 v19, v11  }
0x61: {  	v54 =	vld.idx.msk [tilespmem:v46+s21+$0x0], $0xffff;
	v11 =	vadd.f32 v20, v11;
	v13 =	vadd.f32 v26, v13;
	v21 =	vand.u32 $0x7FFFFFFF, v21  }
0x62: {  	v22 =	vld.idx.msk [tilespmem:v46+s20+$0x0], $0xffff;
	v19 =	vand.u32 $0x7FFFFFFF, v19;
	v14 =	vadd.f32 v21, v14;
	v50 =	vsub.f32 v36, v31  }
0x63: {  	v12 =	vadd.f32 v19, v12;
	v52 =	vsub.f32 v38, v33  }
0x64: {  	v29 =	vsub.f32 v42, v35;
	v28 =	vsub.f32 v43, v37  }
0x65: {  	v23 =	vsub.f32 v45, v47;
	v21 =	vsub.f32 v48, v49  }
0x66: {  	v20 =	vsub.f32 v51, v53;
	v19 =	vadd.f32 v52, v63  }
0x67: {  	v11 =	vand.u32 $0x7FFFFFFF, v11;
	v58 =	vsub.f32 v54, v22;
	v55 =	vadd.f32 v29, v63  }
0x68: {  	v10 =	vadd.f32 v11, v10;
	v28 =	vadd.f32 v28, v63;
	v19 =	vand.u32 $0x7FFFFFFF, v19  }
0x69: {  	s19 =	sshll.u32 s19, $0x7;
	v23 =	vadd.f32 v23, v63;
	v56 =	vand.u32 $0x7FFFFFFF, v55;
	v17 =	vadd.f32 v19, v17  }
0x6a: {  	s19 =	sand.u32 $0x3FFFFF80, s19;
	v21 =	vadd.f32 v21, v63;
	v57 =	vand.u32 $0x7FFFFFFF, v28;
	v16 =	vadd.f32 v56, v16  }
0x6b: {  	v20 =	vadd.f32 v20, v63;
	v59 =	vand.u32 $0x7FFFFFFF, v23;
	v15 =	vadd.f32 v57, v15;
	[tilespmem:s19+$0x10480] =	vst v17  }
0x6c: {  	v26 =	vadd.f32 v50, v63;
	v60 =	vand.u32 $0x7FFFFFFF, v21;
	v13 =	vadd.f32 v59, v13;
	[tilespmem:s19+$0x10490] =	vst v16  }
0x6d: {  	p0 =	sne.s32 s18, $0x4;
	v61 =	vand.u32 $0x7FFFFFFF, v20;
	v19 =	vadd.f32 v58, v63;
	v11 =	vadd.f32 v60, v14;
	[tilespmem:s19+$0x104A0] =	vst v15  }
.Ltmp1:
0x6e: {  	v12 =	vadd.f32 v61, v12;
	v63 =	vand.u32 $0x7FFFFFFF, v26;
	[tilespmem:s19+$0x104B0] =	vst v13;
	(pc) =	sbr.rel @p0 .LBB2_2-.Ltmp1, $4  }
0x6f: {  	v9 =	vadd.f32 v63, v9;
	v62 =	vand.u32 $0x7FFFFFFF, v19;
	[tilespmem:s19+$0x104C0] =	vst v11  }
0x70: {  	[tilespmem:s19+$0x104D0] =	vst v12;
	v10 =	vadd.f32 v62, v10  }
0x71: {  	[tilespmem:s19+$0x104F0] =	vst v9  }
0x72: {  	[tilespmem:s19+$0x104E0] =	vst v10;
	s19 =	smov.u32 s18  }
0x73: {  	s17 =	sadd.s32 $0x1, s17  }
0x74: {  	p0 =	sne.s32 s17, s8  }
.Ltmp2:
0x75: {  	_ = 	snop;
	(pc) =	sbr.rel @p0 .LBB2_1-.Ltmp2, $4  }
0x76: {  	[hbm4b:s7+s4] =	stream.linear.scatter [tilespmem:s15], [sflag:$0x4], $0x200, $0x38;
	[tilespmem:$0x10680] =	vst v63  }
0x77: {  	_ =	swait.ge [sflag:s16], $0x200  }
0x78: {  	[sflag:s16] =	ssyncset.done $0x0  }
0x79: {  	[sflag:s16] =	ssyncadd.s32 $0xFFFFFE00  }
0x7a: {  	_ =	sfence.sel $0x180000  }
0x7b: {  	[bflag:$0x0] =	sbarrier.arrive $0xFFFF  }
0x7c: {  	p0 =	sne.s32 s3, $0x0;
	_ =	strace $0x90000047  }
0x7d: {  	s0 =	sadd.s32 @!p0 $0x100000, s0;
	[bflag:$0x2] =	sbarrier.arrive $0xFFFF  }
0x7e: {  	[sflag:s0] =	ssyncadd.tile.s32 @!p0 $0x1;
	_ =	shalt  }
.Lfunc_end2:
_tile_overlayer_lowered:
.L_overlay_start_2:
0x7f: {  	(tag) =	ssettag $0x2  }
0x80: {  	s0 =	rddreg [dreg:$0x0];
	s2 =	stileid.u32  }
0x81: {  	s1 =	rddreg [dreg:$0x1];
	p0 =	sne.s32 s2, $0x0  }
0x82: {  	s3 =	rddreg [dreg:$0x2];
	[bflag:$0x3] =	sbarrier.arrive $0xFFFF;
	s2 =	simm.s32 @!p0 $0x1C04  }
0x83: {  	[timem:s3], [sflag:s2] =	dma.local @!p0 [hbm:s0], s1  }
0x84: {  	s0 =	simm.s32 @!p0 $0x4  }
0x85: {  	_ =	swait.ge @!p0 [sflag:s0], s1  }
0x86: {  	s1 =	ssub.s32 @!p0 $0x0, s1;
	[sflag:s0] =	ssyncset.done @!p0 $0x0  }
0x87: {  	[sflag:s0] =	ssyncadd.s32 @!p0 s1  }
0x88: {  	[bflag:$0x3] =	sbarrier.arrive $0xFFFF  }
0x89: {  	_ =	shalt  }

</sc_bundles>
